<compile_context>
chip_gen: v7x
topology: tpu7x:2x2x1
jax: 0.10.2.dev20260603
libtpu: 0.0.44.dev20260713+nightly
codegen_flags: <defaults>
</compile_context>

<pallas_src>
import functools

import jax
import jax.numpy as jnp
from jax import lax
from jax.experimental import pallas as pl
from jax.experimental.pallas import tpu as pltpu
from jax.experimental.pallas import tpu_sc as plsc

_N = 128
_C = 32768
_SPLIT = 96
_L = 16
_NW = 32
_NCH = _C // _L
_U = 8

_RB = 16
_NS = 4
_NK1 = _SPLIT // _RB
_NK2 = (_N - _SPLIT) // _RB


def _tc_main_body(x_hbm, o_hbm, in_buf, out_buf, in_sem, out_sem):
    def get(k, slot):
        return pltpu.make_async_copy(
            x_hbm.at[pl.ds(k * _RB, _RB), :], in_buf.at[slot], in_sem.at[slot])

    def put(k, slot):
        return pltpu.make_async_copy(
            out_buf.at[slot], o_hbm.at[pl.ds(k * _RB, _RB), :], out_sem.at[slot])

    for k in range(_NS - 1):
        get(k, k % _NS).start()
    for k in range(_NK1):
        slot = k % _NS
        if k + _NS - 1 < _NK1:
            get(k + _NS - 1, (k + _NS - 1) % _NS).start()
        get(k, slot).wait()
        xb = in_buf[slot]
        idx = jnp.argmax(xb, axis=1)
        ii = lax.broadcasted_iota(jnp.int32, (_RB, _C), 1)
        if k >= _NS:
            put(k - _NS, slot).wait()
        out_buf[slot] = (ii == idx[:, None]).astype(jnp.float32)
        put(k, slot).start()
    for k in range(max(_NK1 - _NS, 0), _NK1):
        put(k, k % _NS).wait()


def _tc_main(x):
    return pl.pallas_call(
        _tc_main_body,
        in_specs=[pl.BlockSpec(memory_space=pl.MemorySpace.ANY)],
        out_specs=pl.BlockSpec(memory_space=pl.MemorySpace.ANY),
        out_shape=jax.ShapeDtypeStruct((_N, _C), jnp.float32),
        scratch_shapes=[
            pltpu.VMEM((_NS, _RB, _C), jnp.float32),
            pltpu.VMEM((_NS, _RB, _C), jnp.float32),
            pltpu.SemaphoreType.DMA((_NS,)),
            pltpu.SemaphoreType.DMA((_NS,)),
        ],
    )(x)



_mesh = plsc.VectorSubcoreMesh(core_axis_name="c", subcore_axis_name="s")


@functools.partial(
    pl.kernel,
    out_type=(jax.ShapeDtypeStruct((_NW, _L), jnp.float32),
              jax.ShapeDtypeStruct((_NW, _L), jnp.int32)),
    mesh=_mesh,
    scratch_types=[
        pltpu.VMEM((_C,), jnp.float32),
        pltpu.VMEM((_L,), jnp.float32),
        pltpu.VMEM((_L,), jnp.int32),
        pltpu.SemaphoreType.DMA,
        pltpu.SemaphoreType.DMA,
        pltpu.SemaphoreType.DMA,
    ],
)
def _sc_argmax(x_hbm, val_hbm, idx_hbm, row_buf, val_buf, idx_buf,
               in_sem, val_sem, idx_sem):
    wid = lax.axis_index("s") * 2 + lax.axis_index("c")
    row = _SPLIT + wid
    pltpu.make_async_copy(x_hbm.at[row], row_buf, in_sem).start()
    pltpu.make_async_copy(x_hbm.at[row], row_buf, in_sem).wait()
    lane = lax.broadcasted_iota(jnp.int32, (_L,), 0)

    def body(j, carry):
        out = []
        for u in range(_U):
            bv, bi = carry[2 * u], carry[2 * u + 1]
            v = row_buf[pl.ds((j * _U + u) * _L, _L)]
            take = v > bv
            out.append(jnp.where(take, v, bv))
            out.append(jnp.where(take, (j * _U + u) * _L + lane, bi))
        return tuple(out)

    init = []
    for u in range(_U):
        init.append(jnp.full((_L,), -jnp.inf, jnp.float32))
        init.append(jnp.zeros((_L,), jnp.int32))
    acc = lax.fori_loop(0, _NCH // _U, body, tuple(init))
    bv, bi = acc[0], acc[1]
    for u in range(1, _U):
        v2, i2 = acc[2 * u], acc[2 * u + 1]
        take = (v2 > bv) | ((v2 == bv) & (i2 < bi))
        bv = jnp.where(take, v2, bv)
        bi = jnp.where(take, i2, bi)
    val_buf[...] = bv
    idx_buf[...] = bi
    pltpu.make_async_copy(val_buf, val_hbm.at[wid], val_sem).start()
    pltpu.make_async_copy(idx_buf, idx_hbm.at[wid], idx_sem).start()
    pltpu.make_async_copy(val_buf, val_hbm.at[wid], val_sem).wait()
    pltpu.make_async_copy(idx_buf, idx_hbm.at[wid], idx_sem).wait()



def _tc_tail_body(big_ref, val_ref, idx_ref, o_hbm, buf, out_sem):
    del big_ref

    def put(k, slot):
        return pltpu.make_async_copy(
            buf.at[slot],
            o_hbm.at[pl.ds(_SPLIT + k * _RB, _RB), :],
            out_sem.at[slot])

    ii = lax.broadcasted_iota(jnp.int32, (_RB, _C), 1)
    for k in range(_NK2):
        bv = val_ref[pl.ds(k * _RB, _RB), :]
        bi = idx_ref[pl.ds(k * _RB, _RB), :]
        m = jnp.max(bv, axis=1, keepdims=True)
        idxv = jnp.min(jnp.where(bv == m, bi, _C), axis=1, keepdims=True)
        buf[k] = (ii == idxv).astype(jnp.float32)
        put(k, k).start()
    for k in range(_NK2):
        put(k, k).wait()


def _tc_tail(big, val, idx):
    return pl.pallas_call(
        _tc_tail_body,
        in_specs=[pl.BlockSpec(memory_space=pl.MemorySpace.ANY),
                  pl.BlockSpec((_NW, _L), lambda: (0, 0)),
                  pl.BlockSpec((_NW, _L), lambda: (0, 0))],
        out_specs=pl.BlockSpec(memory_space=pl.MemorySpace.ANY),
        out_shape=jax.ShapeDtypeStruct((_N, _C), jnp.float32),
        input_output_aliases={0: 0},
        scratch_shapes=[
            pltpu.VMEM((_NK2, _RB, _C), jnp.float32),
            pltpu.SemaphoreType.DMA((_NK2,)),
        ],
    )(big, val, idx)


@jax.jit
def kernel(x):
    big = _tc_main(x)
    val, idx = _sc_argmax(x)
    return _tc_tail(big, val, idx)

# --- scband reference (transcript-rebuilt; emitter-appended) ---
"""Pipeline reference for scband-straight-through-estimator-61057255080242 (READ-ONLY COPY).

The authoritative reference and input builder live on the scoring server;
editing this copy changes nothing except your own understanding.
"""

import jax, jax.numpy as jnp
import numpy as np

N = 128
C = 32768

def setup_inputs(seed: int = 0) -> dict:
    key = jax.random.key(seed)
    x = jax.random.normal(key, (N, C), dtype=jnp.float32)
    return {"x": x}

def reference(x):
    # Forward of STEFunction: argmax over dim=1 -> one-hot float
    indices = jnp.argmax(x, axis=1)
    y = jax.nn.one_hot(indices, num_classes=x.shape[1], dtype=jnp.float32)
    return y

if __name__ == "__main__":
    import jax
    _d = setup_inputs()
    print(jax.jit(kernel)(*tuple(_d.values())))

</pallas_src>

<mosaic_0001>
#map = affine_map<(d0, d1) -> (0, 0)>
module attributes {stable_mosaic.version = 14 : i64} {
  func.func @_sc_argmax(%arg0: i32, %arg1: i32, %arg2: memref<128x32768xf32, #tpu.memory_space<hbm>>, %arg3: memref<32x16xf32, #tpu.memory_space<hbm>>, %arg4: memref<32x16xi32, #tpu.memory_space<hbm>>, %arg5: memref<32768xf32, #tpu.memory_space<vmem>>, %arg6: memref<16xf32, #tpu.memory_space<vmem>>, %arg7: memref<16xi32, #tpu.memory_space<vmem>>, %arg8: memref<!tpu.dma_semaphore, #tpu.memory_space<semaphore_mem>>, %arg9: memref<!tpu.dma_semaphore, #tpu.memory_space<semaphore_mem>>, %arg10: memref<!tpu.dma_semaphore, #tpu.memory_space<semaphore_mem>>) attributes {dimension_semantics = [#tpu.dimension_semantics<core_parallel>, #tpu.dimension_semantics<subcore_parallel>], iteration_bounds = array<i64: 2, 16>, scalar_prefetch = 0 : i64, scratch_operands = 6 : i64, tpu.core_type = #tpu.core_type<sc_vector_subcore>, window_params = [{transform_indices = #map}, {transform_indices = #map}, {transform_indices = #map}]} {
    %mul3A = arith.constant 2 : i32
    %mul3A_0 = arith.muli %arg1, %mul3A : i32
    %add3A = arith.addi %mul3A_0, %arg0 : i32
    %add3A_1 = arith.constant 96 : i32
    %add3A_2 = arith.addi %add3A_1, %add3A : i32
    %dma_start3A = arith.constant 0 : i32
    %dma_start3A_3 = tpu.memref_slice %arg2[%add3A_2, %dma_start3A] : memref<128x32768xf32, #tpu.memory_space<hbm>> -> memref<1x32768xf32, #tpu.memory_space<hbm>>
    %dma_start3A_4 = tpu.memref_squeeze %dma_start3A_3 : memref<1x32768xf32, #tpu.memory_space<hbm>> -> memref<32768xf32, #tpu.memory_space<hbm>>
    %dma_start3A_5 = arith.constant 0 : i32
    %dma_start3A_6 = tpu.memref_slice %arg2[%add3A_2, %dma_start3A_5] : memref<128x32768xf32, #tpu.memory_space<hbm>> -> memref<1x32768xf32, #tpu.memory_space<hbm>>
    %dma_start3A_7 = tpu.memref_squeeze %dma_start3A_6 : memref<1x32768xf32, #tpu.memory_space<hbm>> -> memref<32768xf32, #tpu.memory_space<hbm>>
    tpu.enqueue_dma source(%dma_start3A_7 : memref<32768xf32, #tpu.memory_space<hbm>>) target(%arg5 : memref<32768xf32, #tpu.memory_space<vmem>>) target_semaphore(%arg8 : memref<!tpu.dma_semaphore, #tpu.memory_space<semaphore_mem>>)
    %dma_wait3A = arith.constant 0 : i32
    %dma_wait3A_8 = tpu.memref_slice %arg2[%add3A_2, %dma_wait3A] : memref<128x32768xf32, #tpu.memory_space<hbm>> -> memref<1x32768xf32, #tpu.memory_space<hbm>>
    %dma_wait3A_9 = tpu.memref_squeeze %dma_wait3A_8 : memref<1x32768xf32, #tpu.memory_space<hbm>> -> memref<32768xf32, #tpu.memory_space<hbm>>
    %dma_wait3A_10 = arith.constant 0 : i32
    %dma_wait3A_11 = tpu.memref_slice %arg2[%add3A_2, %dma_wait3A_10] : memref<128x32768xf32, #tpu.memory_space<hbm>> -> memref<1x32768xf32, #tpu.memory_space<hbm>>
    %dma_wait3A_12 = tpu.memref_squeeze %dma_wait3A_11 : memref<1x32768xf32, #tpu.memory_space<hbm>> -> memref<32768xf32, #tpu.memory_space<hbm>>
    tpu.wait_dma2 semaphore(%arg8 : memref<!tpu.dma_semaphore, #tpu.memory_space<semaphore_mem>>) src(%dma_wait3A_12 : memref<32768xf32, #tpu.memory_space<hbm>>) dst(%arg5 : memref<32768xf32, #tpu.memory_space<vmem>>)
    %iota3A = tpu.iota {dimensions = array<i32: 0>} : vector<16xi32>
    %broadcast_in_dim3A = arith.constant 0xFF800000 : f32
    %broadcast_in_dim3A_13 = vector.broadcast %broadcast_in_dim3A : f32 to vector<16xf32>
    %broadcast_in_dim3A_14 = arith.constant 0 : i32
    %broadcast_in_dim3A_15 = vector.broadcast %broadcast_in_dim3A_14 : i32 to vector<16xi32>
    %broadcast_in_dim3A_16 = arith.constant 0xFF800000 : f32
    %broadcast_in_dim3A_17 = vector.broadcast %broadcast_in_dim3A_16 : f32 to vector<16xf32>
    %broadcast_in_dim3A_18 = arith.constant 0 : i32
    %broadcast_in_dim3A_19 = vector.broadcast %broadcast_in_dim3A_18 : i32 to vector<16xi32>
    %broadcast_in_dim3A_20 = arith.constant 0xFF800000 : f32
    %broadcast_in_dim3A_21 = vector.broadcast %broadcast_in_dim3A_20 : f32 to vector<16xf32>
    %broadcast_in_dim3A_22 = arith.constant 0 : i32
    %broadcast_in_dim3A_23 = vector.broadcast %broadcast_in_dim3A_22 : i32 to vector<16xi32>
    %broadcast_in_dim3A_24 = arith.constant 0xFF800000 : f32
    %broadcast_in_dim3A_25 = vector.broadcast %broadcast_in_dim3A_24 : f32 to vector<16xf32>
    %broadcast_in_dim3A_26 = arith.constant 0 : i32
    %broadcast_in_dim3A_27 = vector.broadcast %broadcast_in_dim3A_26 : i32 to vector<16xi32>
    %broadcast_in_dim3A_28 = arith.constant 0xFF800000 : f32
    %broadcast_in_dim3A_29 = vector.broadcast %broadcast_in_dim3A_28 : f32 to vector<16xf32>
    %broadcast_in_dim3A_30 = arith.constant 0 : i32
    %broadcast_in_dim3A_31 = vector.broadcast %broadcast_in_dim3A_30 : i32 to vector<16xi32>
    %broadcast_in_dim3A_32 = arith.constant 0xFF800000 : f32
    %broadcast_in_dim3A_33 = vector.broadcast %broadcast_in_dim3A_32 : f32 to vector<16xf32>
    %broadcast_in_dim3A_34 = arith.constant 0 : i32
    %broadcast_in_dim3A_35 = vector.broadcast %broadcast_in_dim3A_34 : i32 to vector<16xi32>
    %broadcast_in_dim3A_36 = arith.constant 0xFF800000 : f32
    %broadcast_in_dim3A_37 = vector.broadcast %broadcast_in_dim3A_36 : f32 to vector<16xf32>
    %broadcast_in_dim3A_38 = arith.constant 0 : i32
    %broadcast_in_dim3A_39 = vector.broadcast %broadcast_in_dim3A_38 : i32 to vector<16xi32>
    %broadcast_in_dim3A_40 = arith.constant 0xFF800000 : f32
    %broadcast_in_dim3A_41 = vector.broadcast %broadcast_in_dim3A_40 : f32 to vector<16xf32>
    %broadcast_in_dim3A_42 = arith.constant 0 : i32
    %broadcast_in_dim3A_43 = vector.broadcast %broadcast_in_dim3A_42 : i32 to vector<16xi32>
    %scan3A = arith.constant 0 : i32
    %scan3A_44 = arith.constant 256 : i32
    %scan3A_45 = arith.addi %scan3A, %scan3A_44 : i32
    %scan3A_46 = arith.constant 1 : i32
    %scan3A_47:16 = scf.for %scan3A_123 = %scan3A to %scan3A_45 step %scan3A_46 iter_args(%scan3A_124 = %broadcast_in_dim3A_13, %scan3A_125 = %broadcast_in_dim3A_15, %scan3A_126 = %broadcast_in_dim3A_17, %scan3A_127 = %broadcast_in_dim3A_19, %scan3A_128 = %broadcast_in_dim3A_21, %scan3A_129 = %broadcast_in_dim3A_23, %scan3A_130 = %broadcast_in_dim3A_25, %scan3A_131 = %broadcast_in_dim3A_27, %scan3A_132 = %broadcast_in_dim3A_29, %scan3A_133 = %broadcast_in_dim3A_31, %scan3A_134 = %broadcast_in_dim3A_33, %scan3A_135 = %broadcast_in_dim3A_35, %scan3A_136 = %broadcast_in_dim3A_37, %scan3A_137 = %broadcast_in_dim3A_39, %scan3A_138 = %broadcast_in_dim3A_41, %scan3A_139 = %broadcast_in_dim3A_43) -> (vector<16xf32>, vector<16xi32>, vector<16xf32>, vector<16xi32>, vector<16xf32>, vector<16xi32>, vector<16xf32>, vector<16xi32>, vector<16xf32>, vector<16xi32>, vector<16xf32>, vector<16xi32>, vector<16xf32>, vector<16xi32>, vector<16xf32>, vector<16xi32>)  : i32 {
      %mul3A_140 = arith.constant 8 : i32
      %mul3A_141 = arith.muli %scan3A_123, %mul3A_140 : i32
      %add3A_142 = arith.constant 0 : i32
      %add3A_143 = arith.addi %mul3A_141, %add3A_142 : i32
      %mul3A_144 = arith.constant 16 : i32
      %mul3A_145 = arith.muli %add3A_143, %mul3A_144 : i32
      %get3A = arith.index_cast %mul3A_145 : i32 to index
      %get3A_146 = tpu.vector_load %arg5[%get3A] {strides = array<i32>} : memref<32768xf32, #tpu.memory_space<vmem>>, vector<16xf32>,
      %get3A_147 = vector.shape_cast %get3A_146 : vector<16xf32> to vector<16xf32>
      %gt3A_148 = arith.cmpf ogt, %get3A_147, %scan3A_124 : vector<16xf32>
      %select_n3A_149 = arith.select %gt3A_148, %get3A_147, %scan3A_124 : vector<16xi1>, vector<16xf32>
      %mul3A_150 = arith.constant 8 : i32
      %mul3A_151 = arith.muli %scan3A_123, %mul3A_150 : i32
      %add3A_152 = arith.constant 0 : i32
      %add3A_153 = arith.addi %mul3A_151, %add3A_152 : i32
      %mul3A_154 = arith.constant 16 : i32
      %mul3A_155 = arith.muli %add3A_153, %mul3A_154 : i32
      %add3A_156 = vector.broadcast %mul3A_155 : i32 to vector<16xi32>
      %add3A_157 = arith.addi %add3A_156, %iota3A : vector<16xi32>
      %select_n3A_158 = arith.select %gt3A_148, %add3A_157, %scan3A_125 : vector<16xi1>, vector<16xi32>
      %mul3A_159 = arith.constant 8 : i32
      %mul3A_160 = arith.muli %scan3A_123, %mul3A_159 : i32
      %add3A_161 = arith.constant 1 : i32
      %add3A_162 = arith.addi %mul3A_160, %add3A_161 : i32
      %mul3A_163 = arith.constant 16 : i32
      %mul3A_164 = arith.muli %add3A_162, %mul3A_163 : i32
      %get3A_165 = arith.index_cast %mul3A_164 : i32 to index
      %get3A_166 = tpu.vector_load %arg5[%get3A_165] {strides = array<i32>} : memref<32768xf32, #tpu.memory_space<vmem>>, vector<16xf32>,
      %get3A_167 = vector.shape_cast %get3A_166 : vector<16xf32> to vector<16xf32>
      %gt3A_168 = arith.cmpf ogt, %get3A_167, %scan3A_126 : vector<16xf32>
      %select_n3A_169 = arith.select %gt3A_168, %get3A_167, %scan3A_126 : vector<16xi1>, vector<16xf32>
      %mul3A_170 = arith.constant 8 : i32
      %mul3A_171 = arith.muli %scan3A_123, %mul3A_170 : i32
      %add3A_172 = arith.constant 1 : i32
      %add3A_173 = arith.addi %mul3A_171, %add3A_172 : i32
      %mul3A_174 = arith.constant 16 : i32
      %mul3A_175 = arith.muli %add3A_173, %mul3A_174 : i32
      %add3A_176 = vector.broadcast %mul3A_175 : i32 to vector<16xi32>
      %add3A_177 = arith.addi %add3A_176, %iota3A : vector<16xi32>
      %select_n3A_178 = arith.select %gt3A_168, %add3A_177, %scan3A_127 : vector<16xi1>, vector<16xi32>
      %mul3A_179 = arith.constant 8 : i32
      %mul3A_180 = arith.muli %scan3A_123, %mul3A_179 : i32
      %add3A_181 = arith.constant 2 : i32
      %add3A_182 = arith.addi %mul3A_180, %add3A_181 : i32
      %mul3A_183 = arith.constant 16 : i32
      %mul3A_184 = arith.muli %add3A_182, %mul3A_183 : i32
      %get3A_185 = arith.index_cast %mul3A_184 : i32 to index
      %get3A_186 = tpu.vector_load %arg5[%get3A_185] {strides = array<i32>} : memref<32768xf32, #tpu.memory_space<vmem>>, vector<16xf32>,
      %get3A_187 = vector.shape_cast %get3A_186 : vector<16xf32> to vector<16xf32>
      %gt3A_188 = arith.cmpf ogt, %get3A_187, %scan3A_128 : vector<16xf32>
      %select_n3A_189 = arith.select %gt3A_188, %get3A_187, %scan3A_128 : vector<16xi1>, vector<16xf32>
      %mul3A_190 = arith.constant 8 : i32
      %mul3A_191 = arith.muli %scan3A_123, %mul3A_190 : i32
      %add3A_192 = arith.constant 2 : i32
      %add3A_193 = arith.addi %mul3A_191, %add3A_192 : i32
      %mul3A_194 = arith.constant 16 : i32
      %mul3A_195 = arith.muli %add3A_193, %mul3A_194 : i32
      %add3A_196 = vector.broadcast %mul3A_195 : i32 to vector<16xi32>
      %add3A_197 = arith.addi %add3A_196, %iota3A : vector<16xi32>
      %select_n3A_198 = arith.select %gt3A_188, %add3A_197, %scan3A_129 : vector<16xi1>, vector<16xi32>
      %mul3A_199 = arith.constant 8 : i32
      %mul3A_200 = arith.muli %scan3A_123, %mul3A_199 : i32
      %add3A_201 = arith.constant 3 : i32
      %add3A_202 = arith.addi %mul3A_200, %add3A_201 : i32
      %mul3A_203 = arith.constant 16 : i32
      %mul3A_204 = arith.muli %add3A_202, %mul3A_203 : i32
      %get3A_205 = arith.index_cast %mul3A_204 : i32 to index
      %get3A_206 = tpu.vector_load %arg5[%get3A_205] {strides = array<i32>} : memref<32768xf32, #tpu.memory_space<vmem>>, vector<16xf32>,
      %get3A_207 = vector.shape_cast %get3A_206 : vector<16xf32> to vector<16xf32>
      %gt3A_208 = arith.cmpf ogt, %get3A_207, %scan3A_130 : vector<16xf32>
      %select_n3A_209 = arith.select %gt3A_208, %get3A_207, %scan3A_130 : vector<16xi1>, vector<16xf32>
      %mul3A_210 = arith.constant 8 : i32
      %mul3A_211 = arith.muli %scan3A_123, %mul3A_210 : i32
      %add3A_212 = arith.constant 3 : i32
      %add3A_213 = arith.addi %mul3A_211, %add3A_212 : i32
      %mul3A_214 = arith.constant 16 : i32
      %mul3A_215 = arith.muli %add3A_213, %mul3A_214 : i32
      %add3A_216 = vector.broadcast %mul3A_215 : i32 to vector<16xi32>
      %add3A_217 = arith.addi %add3A_216, %iota3A : vector<16xi32>
      %select_n3A_218 = arith.select %gt3A_208, %add3A_217, %scan3A_131 : vector<16xi1>, vector<16xi32>
      %mul3A_219 = arith.constant 8 : i32
      %mul3A_220 = arith.muli %scan3A_123, %mul3A_219 : i32
      %add3A_221 = arith.constant 4 : i32
      %add3A_222 = arith.addi %mul3A_220, %add3A_221 : i32
      %mul3A_223 = arith.constant 16 : i32
      %mul3A_224 = arith.muli %add3A_222, %mul3A_223 : i32
      %get3A_225 = arith.index_cast %mul3A_224 : i32 to index
      %get3A_226 = tpu.vector_load %arg5[%get3A_225] {strides = array<i32>} : memref<32768xf32, #tpu.memory_space<vmem>>, vector<16xf32>,
      %get3A_227 = vector.shape_cast %get3A_226 : vector<16xf32> to vector<16xf32>
      %gt3A_228 = arith.cmpf ogt, %get3A_227, %scan3A_132 : vector<16xf32>
      %select_n3A_229 = arith.select %gt3A_228, %get3A_227, %scan3A_132 : vector<16xi1>, vector<16xf32>
      %mul3A_230 = arith.constant 8 : i32
      %mul3A_231 = arith.muli %scan3A_123, %mul3A_230 : i32
      %add3A_232 = arith.constant 4 : i32
      %add3A_233 = arith.addi %mul3A_231, %add3A_232 : i32
      %mul3A_234 = arith.constant 16 : i32
      %mul3A_235 = arith.muli %add3A_233, %mul3A_234 : i32
      %add3A_236 = vector.broadcast %mul3A_235 : i32 to vector<16xi32>
      %add3A_237 = arith.addi %add3A_236, %iota3A : vector<16xi32>
      %select_n3A_238 = arith.select %gt3A_228, %add3A_237, %scan3A_133 : vector<16xi1>, vector<16xi32>
      %mul3A_239 = arith.constant 8 : i32
      %mul3A_240 = arith.muli %scan3A_123, %mul3A_239 : i32
      %add3A_241 = arith.constant 5 : i32
      %add3A_242 = arith.addi %mul3A_240, %add3A_241 : i32
      %mul3A_243 = arith.constant 16 : i32
      %mul3A_244 = arith.muli %add3A_242, %mul3A_243 : i32
      %get3A_245 = arith.index_cast %mul3A_244 : i32 to index
      %get3A_246 = tpu.vector_load %arg5[%get3A_245] {strides = array<i32>} : memref<32768xf32, #tpu.memory_space<vmem>>, vector<16xf32>,
      %get3A_247 = vector.shape_cast %get3A_246 : vector<16xf32> to vector<16xf32>
      %gt3A_248 = arith.cmpf ogt, %get3A_247, %scan3A_134 : vector<16xf32>
      %select_n3A_249 = arith.select %gt3A_248, %get3A_247, %scan3A_134 : vector<16xi1>, vector<16xf32>
      %mul3A_250 = arith.constant 8 : i32
      %mul3A_251 = arith.muli %scan3A_123, %mul3A_250 : i32
      %add3A_252 = arith.constant 5 : i32
      %add3A_253 = arith.addi %mul3A_251, %add3A_252 : i32
      %mul3A_254 = arith.constant 16 : i32
      %mul3A_255 = arith.muli %add3A_253, %mul3A_254 : i32
      %add3A_256 = vector.broadcast %mul3A_255 : i32 to vector<16xi32>
      %add3A_257 = arith.addi %add3A_256, %iota3A : vector<16xi32>
      %select_n3A_258 = arith.select %gt3A_248, %add3A_257, %scan3A_135 : vector<16xi1>, vector<16xi32>
      %mul3A_259 = arith.constant 8 : i32
      %mul3A_260 = arith.muli %scan3A_123, %mul3A_259 : i32
      %add3A_261 = arith.constant 6 : i32
      %add3A_262 = arith.addi %mul3A_260, %add3A_261 : i32
      %mul3A_263 = arith.constant 16 : i32
      %mul3A_264 = arith.muli %add3A_262, %mul3A_263 : i32
      %get3A_265 = arith.index_cast %mul3A_264 : i32 to index
      %get3A_266 = tpu.vector_load %arg5[%get3A_265] {strides = array<i32>} : memref<32768xf32, #tpu.memory_space<vmem>>, vector<16xf32>,
      %get3A_267 = vector.shape_cast %get3A_266 : vector<16xf32> to vector<16xf32>
      %gt3A_268 = arith.cmpf ogt, %get3A_267, %scan3A_136 : vector<16xf32>
      %select_n3A_269 = arith.select %gt3A_268, %get3A_267, %scan3A_136 : vector<16xi1>, vector<16xf32>
      %mul3A_270 = arith.constant 8 : i32
      %mul3A_271 = arith.muli %scan3A_123, %mul3A_270 : i32
      %add3A_272 = arith.constant 6 : i32
      %add3A_273 = arith.addi %mul3A_271, %add3A_272 : i32
      %mul3A_274 = arith.constant 16 : i32
      %mul3A_275 = arith.muli %add3A_273, %mul3A_274 : i32
      %add3A_276 = vector.broadcast %mul3A_275 : i32 to vector<16xi32>
      %add3A_277 = arith.addi %add3A_276, %iota3A : vector<16xi32>
      %select_n3A_278 = arith.select %gt3A_268, %add3A_277, %scan3A_137 : vector<16xi1>, vector<16xi32>
      %mul3A_279 = arith.constant 8 : i32
      %mul3A_280 = arith.muli %scan3A_123, %mul3A_279 : i32
      %add3A_281 = arith.constant 7 : i32
      %add3A_282 = arith.addi %mul3A_280, %add3A_281 : i32
      %mul3A_283 = arith.constant 16 : i32
      %mul3A_284 = arith.muli %add3A_282, %mul3A_283 : i32
      %get3A_285 = arith.index_cast %mul3A_284 : i32 to index
      %get3A_286 = tpu.vector_load %arg5[%get3A_285] {strides = array<i32>} : memref<32768xf32, #tpu.memory_space<vmem>>, vector<16xf32>,
      %get3A_287 = vector.shape_cast %get3A_286 : vector<16xf32> to vector<16xf32>
      %gt3A_288 = arith.cmpf ogt, %get3A_287, %scan3A_138 : vector<16xf32>
      %select_n3A_289 = arith.select %gt3A_288, %get3A_287, %scan3A_138 : vector<16xi1>, vector<16xf32>
      %mul3A_290 = arith.constant 8 : i32
      %mul3A_291 = arith.muli %scan3A_123, %mul3A_290 : i32
      %add3A_292 = arith.constant 7 : i32
      %add3A_293 = arith.addi %mul3A_291, %add3A_292 : i32
      %mul3A_294 = arith.constant 16 : i32
      %mul3A_295 = arith.muli %add3A_293, %mul3A_294 : i32
      %add3A_296 = vector.broadcast %mul3A_295 : i32 to vector<16xi32>
      %add3A_297 = arith.addi %add3A_296, %iota3A : vector<16xi32>
      %select_n3A_298 = arith.select %gt3A_288, %add3A_297, %scan3A_139 : vector<16xi1>, vector<16xi32>
      scf.yield %select_n3A_149, %select_n3A_158, %select_n3A_169, %select_n3A_178, %select_n3A_189, %select_n3A_198, %select_n3A_209, %select_n3A_218, %select_n3A_229, %select_n3A_238, %select_n3A_249, %select_n3A_258, %select_n3A_269, %select_n3A_278, %select_n3A_289, %select_n3A_298 : vector<16xf32>, vector<16xi32>, vector<16xf32>, vector<16xi32>, vector<16xf32>, vector<16xi32>, vector<16xf32>, vector<16xi32>, vector<16xf32>, vector<16xi32>, vector<16xf32>, vector<16xi32>, vector<16xf32>, vector<16xi32>, vector<16xf32>, vector<16xi32>
    }
    %scan3A_48 = arith.constant 256 : i32
    %gt3A = arith.cmpf ogt, %scan3A_47#2, %scan3A_47#0 : vector<16xf32>
    %eq3A = arith.cmpf oeq, %scan3A_47#2, %scan3A_47#0 : vector<16xf32>
    %lt3A = arith.cmpi slt, %scan3A_47#3, %scan3A_47#1 : vector<16xi32>
    %and3A = arith.andi %eq3A, %lt3A : vector<16xi1>
    %or3A = arith.ori %gt3A, %and3A : vector<16xi1>
    %select_n3A = arith.select %or3A, %scan3A_47#2, %scan3A_47#0 : vector<16xi1>, vector<16xf32>
    %select_n3A_49 = arith.select %or3A, %scan3A_47#3, %scan3A_47#1 : vector<16xi1>, vector<16xi32>
    %gt3A_50 = arith.cmpf ogt, %scan3A_47#4, %select_n3A : vector<16xf32>
    %eq3A_51 = arith.cmpf oeq, %scan3A_47#4, %select_n3A : vector<16xf32>
    %lt3A_52 = arith.cmpi slt, %scan3A_47#5, %select_n3A_49 : vector<16xi32>
    %and3A_53 = arith.andi %eq3A_51, %lt3A_52 : vector<16xi1>
    %or3A_54 = arith.ori %gt3A_50, %and3A_53 : vector<16xi1>
    %select_n3A_55 = arith.select %or3A_54, %scan3A_47#4, %select_n3A : vector<16xi1>, vector<16xf32>
    %select_n3A_56 = arith.select %or3A_54, %scan3A_47#5, %select_n3A_49 : vector<16xi1>, vector<16xi32>
    %gt3A_57 = arith.cmpf ogt, %scan3A_47#6, %select_n3A_55 : vector<16xf32>
    %eq3A_58 = arith.cmpf oeq, %scan3A_47#6, %select_n3A_55 : vector<16xf32>
    %lt3A_59 = arith.cmpi slt, %scan3A_47#7, %select_n3A_56 : vector<16xi32>
    %and3A_60 = arith.andi %eq3A_58, %lt3A_59 : vector<16xi1>
    %or3A_61 = arith.ori %gt3A_57, %and3A_60 : vector<16xi1>
    %select_n3A_62 = arith.select %or3A_61, %scan3A_47#6, %select_n3A_55 : vector<16xi1>, vector<16xf32>
    %select_n3A_63 = arith.select %or3A_61, %scan3A_47#7, %select_n3A_56 : vector<16xi1>, vector<16xi32>
    %gt3A_64 = arith.cmpf ogt, %scan3A_47#8, %select_n3A_62 : vector<16xf32>
    %eq3A_65 = arith.cmpf oeq, %scan3A_47#8, %select_n3A_62 : vector<16xf32>
    %lt3A_66 = arith.cmpi slt, %scan3A_47#9, %select_n3A_63 : vector<16xi32>
    %and3A_67 = arith.andi %eq3A_65, %lt3A_66 : vector<16xi1>
    %or3A_68 = arith.ori %gt3A_64, %and3A_67 : vector<16xi1>
    %select_n3A_69 = arith.select %or3A_68, %scan3A_47#8, %select_n3A_62 : vector<16xi1>, vector<16xf32>
    %select_n3A_70 = arith.select %or3A_68, %scan3A_47#9, %select_n3A_63 : vector<16xi1>, vector<16xi32>
    %gt3A_71 = arith.cmpf ogt, %scan3A_47#10, %select_n3A_69 : vector<16xf32>
    %eq3A_72 = arith.cmpf oeq, %scan3A_47#10, %select_n3A_69 : vector<16xf32>
    %lt3A_73 = arith.cmpi slt, %scan3A_47#11, %select_n3A_70 : vector<16xi32>
    %and3A_74 = arith.andi %eq3A_72, %lt3A_73 : vector<16xi1>
    %or3A_75 = arith.ori %gt3A_71, %and3A_74 : vector<16xi1>
    %select_n3A_76 = arith.select %or3A_75, %scan3A_47#10, %select_n3A_69 : vector<16xi1>, vector<16xf32>
    %select_n3A_77 = arith.select %or3A_75, %scan3A_47#11, %select_n3A_70 : vector<16xi1>, vector<16xi32>
    %gt3A_78 = arith.cmpf ogt, %scan3A_47#12, %select_n3A_76 : vector<16xf32>
    %eq3A_79 = arith.cmpf oeq, %scan3A_47#12, %select_n3A_76 : vector<16xf32>
    %lt3A_80 = arith.cmpi slt, %scan3A_47#13, %select_n3A_77 : vector<16xi32>
    %and3A_81 = arith.andi %eq3A_79, %lt3A_80 : vector<16xi1>
    %or3A_82 = arith.ori %gt3A_78, %and3A_81 : vector<16xi1>
    %select_n3A_83 = arith.select %or3A_82, %scan3A_47#12, %select_n3A_76 : vector<16xi1>, vector<16xf32>
    %select_n3A_84 = arith.select %or3A_82, %scan3A_47#13, %select_n3A_77 : vector<16xi1>, vector<16xi32>
    %gt3A_85 = arith.cmpf ogt, %scan3A_47#14, %select_n3A_83 : vector<16xf32>
    %eq3A_86 = arith.cmpf oeq, %scan3A_47#14, %select_n3A_83 : vector<16xf32>
    %lt3A_87 = arith.cmpi slt, %scan3A_47#15, %select_n3A_84 : vector<16xi32>
    %and3A_88 = arith.andi %eq3A_86, %lt3A_87 : vector<16xi1>
    %or3A_89 = arith.ori %gt3A_85, %and3A_88 : vector<16xi1>
    %select_n3A_90 = arith.select %or3A_89, %scan3A_47#14, %select_n3A_83 : vector<16xi1>, vector<16xf32>
    %select_n3A_91 = arith.select %or3A_89, %scan3A_47#15, %select_n3A_84 : vector<16xi1>, vector<16xi32>
    %swap3A = arith.constant 0 : index
    %swap3A_92 = tpu.vector_load %arg6[%swap3A] {strides = array<i32>} : memref<16xf32, #tpu.memory_space<vmem>>, vector<16xf32>,
    %swap3A_93 = vector.shape_cast %swap3A_92 : vector<16xf32> to vector<16xf32>
    %swap3A_94 = vector.shape_cast %select_n3A_90 : vector<16xf32> to vector<16xf32>
    tpu.vector_store %arg6[%swap3A], %swap3A_94 {strides = array<i32>} : memref<16xf32, #tpu.memory_space<vmem>>, vector<16xf32>,
    %swap3A_95 = arith.constant 0 : index
    %swap3A_96 = tpu.vector_load %arg7[%swap3A_95] {strides = array<i32>} : memref<16xi32, #tpu.memory_space<vmem>>, vector<16xi32>,
    %swap3A_97 = vector.shape_cast %swap3A_96 : vector<16xi32> to vector<16xi32>
    %swap3A_98 = vector.shape_cast %select_n3A_91 : vector<16xi32> to vector<16xi32>
    tpu.vector_store %arg7[%swap3A_95], %swap3A_98 {strides = array<i32>} : memref<16xi32, #tpu.memory_space<vmem>>, vector<16xi32>,
    %dma_start3A_99 = arith.constant 0 : i32
    %dma_start3A_100 = tpu.memref_slice %arg3[%add3A, %dma_start3A_99] : memref<32x16xf32, #tpu.memory_space<hbm>> -> memref<1x16xf32, #tpu.memory_space<hbm>>
    %dma_start3A_101 = tpu.memref_squeeze %dma_start3A_100 : memref<1x16xf32, #tpu.memory_space<hbm>> -> memref<16xf32, #tpu.memory_space<hbm>>
    %dma_start3A_102 = arith.constant 0 : i32
    %dma_start3A_103 = tpu.memref_slice %arg3[%add3A, %dma_start3A_102] : memref<32x16xf32, #tpu.memory_space<hbm>> -> memref<1x16xf32, #tpu.memory_space<hbm>>
    %dma_start3A_104 = tpu.memref_squeeze %dma_start3A_103 : memref<1x16xf32, #tpu.memory_space<hbm>> -> memref<16xf32, #tpu.memory_space<hbm>>
    tpu.enqueue_dma source(%arg6 : memref<16xf32, #tpu.memory_space<vmem>>) target(%dma_start3A_104 : memref<16xf32, #tpu.memory_space<hbm>>) target_semaphore(%arg9 : memref<!tpu.dma_semaphore, #tpu.memory_space<semaphore_mem>>)
    %dma_start3A_105 = arith.constant 0 : i32
    %dma_start3A_106 = tpu.memref_slice %arg4[%add3A, %dma_start3A_105] : memref<32x16xi32, #tpu.memory_space<hbm>> -> memref<1x16xi32, #tpu.memory_space<hbm>>
    %dma_start3A_107 = tpu.memref_squeeze %dma_start3A_106 : memref<1x16xi32, #tpu.memory_space<hbm>> -> memref<16xi32, #tpu.memory_space<hbm>>
    %dma_start3A_108 = arith.constant 0 : i32
    %dma_start3A_109 = tpu.memref_slice %arg4[%add3A, %dma_start3A_108] : memref<32x16xi32, #tpu.memory_space<hbm>> -> memref<1x16xi32, #tpu.memory_space<hbm>>
    %dma_start3A_110 = tpu.memref_squeeze %dma_start3A_109 : memref<1x16xi32, #tpu.memory_space<hbm>> -> memref<16xi32, #tpu.memory_space<hbm>>
    tpu.enqueue_dma source(%arg7 : memref<16xi32, #tpu.memory_space<vmem>>) target(%dma_start3A_110 : memref<16xi32, #tpu.memory_space<hbm>>) target_semaphore(%arg10 : memref<!tpu.dma_semaphore, #tpu.memory_space<semaphore_mem>>)
    %dma_wait3A_111 = arith.constant 0 : i32
    %dma_wait3A_112 = tpu.memref_slice %arg3[%add3A, %dma_wait3A_111] : memref<32x16xf32, #tpu.memory_space<hbm>> -> memref<1x16xf32, #tpu.memory_space<hbm>>
    %dma_wait3A_113 = tpu.memref_squeeze %dma_wait3A_112 : memref<1x16xf32, #tpu.memory_space<hbm>> -> memref<16xf32, #tpu.memory_space<hbm>>
    %dma_wait3A_114 = arith.constant 0 : i32
    %dma_wait3A_115 = tpu.memref_slice %arg3[%add3A, %dma_wait3A_114] : memref<32x16xf32, #tpu.memory_space<hbm>> -> memref<1x16xf32, #tpu.memory_space<hbm>>
    %dma_wait3A_116 = tpu.memref_squeeze %dma_wait3A_115 : memref<1x16xf32, #tpu.memory_space<hbm>> -> memref<16xf32, #tpu.memory_space<hbm>>
    tpu.wait_dma2 semaphore(%arg9 : memref<!tpu.dma_semaphore, #tpu.memory_space<semaphore_mem>>) src(%arg6 : memref<16xf32, #tpu.memory_space<vmem>>) dst(%dma_wait3A_116 : memref<16xf32, #tpu.memory_space<hbm>>)
    %dma_wait3A_117 = arith.constant 0 : i32
    %dma_wait3A_118 = tpu.memref_slice %arg4[%add3A, %dma_wait3A_117] : memref<32x16xi32, #tpu.memory_space<hbm>> -> memref<1x16xi32, #tpu.memory_space<hbm>>
    %dma_wait3A_119 = tpu.memref_squeeze %dma_wait3A_118 : memref<1x16xi32, #tpu.memory_space<hbm>> -> memref<16xi32, #tpu.memory_space<hbm>>
    %dma_wait3A_120 = arith.constant 0 : i32
    %dma_wait3A_121 = tpu.memref_slice %arg4[%add3A, %dma_wait3A_120] : memref<32x16xi32, #tpu.memory_space<hbm>> -> memref<1x16xi32, #tpu.memory_space<hbm>>
    %dma_wait3A_122 = tpu.memref_squeeze %dma_wait3A_121 : memref<1x16xi32, #tpu.memory_space<hbm>> -> memref<16xi32, #tpu.memory_space<hbm>>
    tpu.wait_dma2 semaphore(%arg10 : memref<!tpu.dma_semaphore, #tpu.memory_space<semaphore_mem>>) src(%arg7 : memref<16xi32, #tpu.memory_space<vmem>>) dst(%dma_wait3A_122 : memref<16xi32, #tpu.memory_space<hbm>>)
    return
  }
}

module attributes {stable_mosaic.version = 14 : i64} {
  func.func @_tc_tail_body(%arg0: memref<128x32768xf32, #tpu.memory_space<any>>, %arg1: memref<32x16xf32, #tpu.memory_space<vmem>>, %arg2: memref<32x16xi32, #tpu.memory_space<vmem>>, %arg3: memref<128x32768xf32, #tpu.memory_space<any>>, %arg4: memref<2x16x32768xf32, #tpu.memory_space<vmem>>, %arg5: memref<2x!tpu.dma_semaphore, #tpu.memory_space<semaphore_mem>>) attributes {dimension_semantics = [], scalar_prefetch = 0 : i64, scratch_operands = 2 : i64, tpu.core_type = #tpu.core_type<tc>} {
    %iota3A = tpu.iota {dimensions = array<i32: 1>} : vector<16x32768xi32>
    %get3A = arith.constant 0 : index
    %get3A_0 = arith.constant 0 : index
    %get3A_1 = vector.load %arg1[%get3A, %get3A_0] : memref<32x16xf32, #tpu.memory_space<vmem>>, vector<16x16xf32>
    %get3A_2 = arith.constant 0 : index
    %get3A_3 = arith.constant 0 : index
    %get3A_4 = vector.load %arg2[%get3A_2, %get3A_3] : memref<32x16xi32, #tpu.memory_space<vmem>>, vector<16x16xi32>
    %reduce_max3A = arith.constant dense<0xFF800000> : vector<16xf32>
    %reduce_max3A_5 = vector.multi_reduction <maximumf>, %get3A_1, %reduce_max3A [1] : vector<16x16xf32> to vector<16xf32>
    %broadcast_in_dim3A = vector.shape_cast %reduce_max3A_5 : vector<16xf32> to vector<16x1xf32>
    %eq3A = vector.broadcast %broadcast_in_dim3A : vector<16x1xf32> to vector<16x16xf32>
    %eq3A_6 = arith.cmpf oeq, %get3A_1, %eq3A : vector<16x16xf32>
    %jit3A = arith.constant 32768 : i32
    %broadcast_in_dim3A_7 = vector.broadcast %jit3A : i32 to vector<16x16xi32>
    %select_n3A = arith.select %eq3A_6, %get3A_4, %broadcast_in_dim3A_7 : vector<16x16xi1>, vector<16x16xi32>
    %reduce_min3A = arith.constant dense<2147483647> : vector<16xi32>
    %reduce_min3A_8 = vector.multi_reduction <minsi>, %select_n3A, %reduce_min3A [1] : vector<16x16xi32> to vector<16xi32>
    %broadcast_in_dim3A_9 = vector.shape_cast %reduce_min3A_8 : vector<16xi32> to vector<16x1xi32>
    %eq3A_10 = vector.broadcast %broadcast_in_dim3A_9 : vector<16x1xi32> to vector<16x32768xi32>
    %eq3A_11 = arith.cmpi eq, %iota3A, %eq3A_10 : vector<16x32768xi32>
    %convert_element_type3A = arith.extui %eq3A_11 : vector<16x32768xi1> to vector<16x32768xi32>
    %convert_element_type3A_12 = arith.sitofp %convert_element_type3A : vector<16x32768xi32> to vector<16x32768xf32>
    %swap3A = arith.constant 0 : index
    %swap3A_13 = arith.constant 0 : index
    %swap3A_14 = arith.constant 0 : index
    %swap3A_15 = vector.load %arg4[%swap3A, %swap3A_13, %swap3A_14] : memref<2x16x32768xf32, #tpu.memory_space<vmem>>, vector<1x16x32768xf32>
    %swap3A_16 = vector.shape_cast %swap3A_15 : vector<1x16x32768xf32> to vector<16x32768xf32>
    %swap3A_17 = vector.shape_cast %convert_element_type3A_12 : vector<16x32768xf32> to vector<1x16x32768xf32>
    tpu.vector_store %arg4[%swap3A, %swap3A_13, %swap3A_14], %swap3A_17 {strides = array<i32>} : memref<2x16x32768xf32, #tpu.memory_space<vmem>>, vector<1x16x32768xf32>,
    %dma_start3A = arith.constant 0 : i32
    %dma_start3A_18 = arith.constant 0 : i32
    %dma_start3A_19 = tpu.memref_slice %arg5[%dma_start3A_18] : memref<2x!tpu.dma_semaphore, #tpu.memory_space<semaphore_mem>> -> memref<1x!tpu.dma_semaphore, #tpu.memory_space<semaphore_mem>>
    %dma_start3A_20 = tpu.memref_squeeze %dma_start3A_19 : memref<1x!tpu.dma_semaphore, #tpu.memory_space<semaphore_mem>> -> memref<!tpu.dma_semaphore, #tpu.memory_space<semaphore_mem>>
    %dma_start3A_21 = arith.constant 96 : i32
    %dma_start3A_22 = arith.constant 0 : i32
    %dma_start3A_23 = tpu.memref_slice %arg3[%dma_start3A_21, %dma_start3A_22] : memref<128x32768xf32, #tpu.memory_space<any>> -> memref<16x32768xf32, #tpu.memory_space<any>>
    %dma_start3A_24 = arith.constant 0 : i32
    %dma_start3A_25 = arith.constant 0 : i32
    %dma_start3A_26 = tpu.memref_slice %arg4[%dma_start3A, %dma_start3A_24, %dma_start3A_25] : memref<2x16x32768xf32, #tpu.memory_space<vmem>> -> memref<1x16x32768xf32, #tpu.memory_space<vmem>>
    %dma_start3A_27 = tpu.memref_squeeze %dma_start3A_26 : memref<1x16x32768xf32, #tpu.memory_space<vmem>> -> memref<16x32768xf32, #tpu.memory_space<vmem>>
    tpu.enqueue_dma source(%dma_start3A_27 : memref<16x32768xf32, #tpu.memory_space<vmem>>) target(%dma_start3A_23 : memref<16x32768xf32, #tpu.memory_space<any>>) target_semaphore(%dma_start3A_20 : memref<!tpu.dma_semaphore, #tpu.memory_space<semaphore_mem>>)
    %get3A_28 = arith.constant 16 : index
    %get3A_29 = arith.constant 0 : index
    %get3A_30 = vector.load %arg1[%get3A_28, %get3A_29] : memref<32x16xf32, #tpu.memory_space<vmem>>, vector<16x16xf32>
    %get3A_31 = arith.constant 16 : index
    %get3A_32 = arith.constant 0 : index
    %get3A_33 = vector.load %arg2[%get3A_31, %get3A_32] : memref<32x16xi32, #tpu.memory_space<vmem>>, vector<16x16xi32>
    %reduce_max3A_34 = arith.constant dense<0xFF800000> : vector<16xf32>
    %reduce_max3A_35 = vector.multi_reduction <maximumf>, %get3A_30, %reduce_max3A_34 [1] : vector<16x16xf32> to vector<16xf32>
    %broadcast_in_dim3A_36 = vector.shape_cast %reduce_max3A_35 : vector<16xf32> to vector<16x1xf32>
    %eq3A_37 = vector.broadcast %broadcast_in_dim3A_36 : vector<16x1xf32> to vector<16x16xf32>
    %eq3A_38 = arith.cmpf oeq, %get3A_30, %eq3A_37 : vector<16x16xf32>
    %jit3A_39 = arith.constant 32768 : i32
    %broadcast_in_dim3A_40 = vector.broadcast %jit3A_39 : i32 to vector<16x16xi32>
    %select_n3A_41 = arith.select %eq3A_38, %get3A_33, %broadcast_in_dim3A_40 : vector<16x16xi1>, vector<16x16xi32>
    %reduce_min3A_42 = arith.constant dense<2147483647> : vector<16xi32>
    %reduce_min3A_43 = vector.multi_reduction <minsi>, %select_n3A_41, %reduce_min3A_42 [1] : vector<16x16xi32> to vector<16xi32>
    %broadcast_in_dim3A_44 = vector.shape_cast %reduce_min3A_43 : vector<16xi32> to vector<16x1xi32>
    %eq3A_45 = vector.broadcast %broadcast_in_dim3A_44 : vector<16x1xi32> to vector<16x32768xi32>
    %eq3A_46 = arith.cmpi eq, %iota3A, %eq3A_45 : vector<16x32768xi32>
    %convert_element_type3A_47 = arith.extui %eq3A_46 : vector<16x32768xi1> to vector<16x32768xi32>
    %convert_element_type3A_48 = arith.sitofp %convert_element_type3A_47 : vector<16x32768xi32> to vector<16x32768xf32>
    %swap3A_49 = arith.constant 1 : index
    %swap3A_50 = arith.constant 0 : index
    %swap3A_51 = arith.constant 0 : index
    %swap3A_52 = vector.load %arg4[%swap3A_49, %swap3A_50, %swap3A_51] : memref<2x16x32768xf32, #tpu.memory_space<vmem>>, vector<1x16x32768xf32>
    %swap3A_53 = vector.shape_cast %swap3A_52 : vector<1x16x32768xf32> to vector<16x32768xf32>
    %swap3A_54 = vector.shape_cast %convert_element_type3A_48 : vector<16x32768xf32> to vector<1x16x32768xf32>
    tpu.vector_store %arg4[%swap3A_49, %swap3A_50, %swap3A_51], %swap3A_54 {strides = array<i32>} : memref<2x16x32768xf32, #tpu.memory_space<vmem>>, vector<1x16x32768xf32>,
    %dma_start3A_55 = arith.constant 1 : i32
    %dma_start3A_56 = arith.constant 1 : i32
    %dma_start3A_57 = tpu.memref_slice %arg5[%dma_start3A_56] : memref<2x!tpu.dma_semaphore, #tpu.memory_space<semaphore_mem>> -> memref<1x!tpu.dma_semaphore, #tpu.memory_space<semaphore_mem>>
    %dma_start3A_58 = tpu.memref_squeeze %dma_start3A_57 : memref<1x!tpu.dma_semaphore, #tpu.memory_space<semaphore_mem>> -> memref<!tpu.dma_semaphore, #tpu.memory_space<semaphore_mem>>
    %dma_start3A_59 = arith.constant 112 : i32
    %dma_start3A_60 = arith.constant 0 : i32
    %dma_start3A_61 = tpu.memref_slice %arg3[%dma_start3A_59, %dma_start3A_60] : memref<128x32768xf32, #tpu.memory_space<any>> -> memref<16x32768xf32, #tpu.memory_space<any>>
    %dma_start3A_62 = arith.constant 0 : i32
    %dma_start3A_63 = arith.constant 0 : i32
    %dma_start3A_64 = tpu.memref_slice %arg4[%dma_start3A_55, %dma_start3A_62, %dma_start3A_63] : memref<2x16x32768xf32, #tpu.memory_space<vmem>> -> memref<1x16x32768xf32, #tpu.memory_space<vmem>>
    %dma_start3A_65 = tpu.memref_squeeze %dma_start3A_64 : memref<1x16x32768xf32, #tpu.memory_space<vmem>> -> memref<16x32768xf32, #tpu.memory_space<vmem>>
    tpu.enqueue_dma source(%dma_start3A_65 : memref<16x32768xf32, #tpu.memory_space<vmem>>) target(%dma_start3A_61 : memref<16x32768xf32, #tpu.memory_space<any>>) target_semaphore(%dma_start3A_58 : memref<!tpu.dma_semaphore, #tpu.memory_space<semaphore_mem>>)
    %dma_wait3A = arith.constant 0 : i32
    %dma_wait3A_66 = arith.constant 0 : i32
    %dma_wait3A_67 = tpu.memref_slice %arg5[%dma_wait3A_66] : memref<2x!tpu.dma_semaphore, #tpu.memory_space<semaphore_mem>> -> memref<1x!tpu.dma_semaphore, #tpu.memory_space<semaphore_mem>>
    %dma_wait3A_68 = tpu.memref_squeeze %dma_wait3A_67 : memref<1x!tpu.dma_semaphore, #tpu.memory_space<semaphore_mem>> -> memref<!tpu.dma_semaphore, #tpu.memory_space<semaphore_mem>>
    %dma_wait3A_69 = arith.constant 96 : i32
    %dma_wait3A_70 = arith.constant 0 : i32
    %dma_wait3A_71 = tpu.memref_slice %arg3[%dma_wait3A_69, %dma_wait3A_70] : memref<128x32768xf32, #tpu.memory_space<any>> -> memref<16x32768xf32, #tpu.memory_space<any>>
    %dma_wait3A_72 = arith.constant 0 : i32
    %dma_wait3A_73 = arith.constant 0 : i32
    %dma_wait3A_74 = tpu.memref_slice %arg4[%dma_wait3A, %dma_wait3A_72, %dma_wait3A_73] : memref<2x16x32768xf32, #tpu.memory_space<vmem>> -> memref<1x16x32768xf32, #tpu.memory_space<vmem>>
    %dma_wait3A_75 = tpu.memref_squeeze %dma_wait3A_74 : memref<1x16x32768xf32, #tpu.memory_space<vmem>> -> memref<16x32768xf32, #tpu.memory_space<vmem>>
    tpu.wait_dma2 semaphore(%dma_wait3A_68 : memref<!tpu.dma_semaphore, #tpu.memory_space<semaphore_mem>>) src(%dma_wait3A_75 : memref<16x32768xf32, #tpu.memory_space<vmem>>) dst(%dma_wait3A_71 : memref<16x32768xf32, #tpu.memory_space<any>>)
    %dma_wait3A_76 = arith.constant 1 : i32
    %dma_wait3A_77 = arith.constant 1 : i32
    %dma_wait3A_78 = tpu.memref_slice %arg5[%dma_wait3A_77] : memref<2x!tpu.dma_semaphore, #tpu.memory_space<semaphore_mem>> -> memref<1x!tpu.dma_semaphore, #tpu.memory_space<semaphore_mem>>
    %dma_wait3A_79 = tpu.memref_squeeze %dma_wait3A_78 : memref<1x!tpu.dma_semaphore, #tpu.memory_space<semaphore_mem>> -> memref<!tpu.dma_semaphore, #tpu.memory_space<semaphore_mem>>
    %dma_wait3A_80 = arith.constant 112 : i32
    %dma_wait3A_81 = arith.constant 0 : i32
    %dma_wait3A_82 = tpu.memref_slice %arg3[%dma_wait3A_80, %dma_wait3A_81] : memref<128x32768xf32, #tpu.memory_space<any>> -> memref<16x32768xf32, #tpu.memory_space<any>>
    %dma_wait3A_83 = arith.constant 0 : i32
    %dma_wait3A_84 = arith.constant 0 : i32
    %dma_wait3A_85 = tpu.memref_slice %arg4[%dma_wait3A_76, %dma_wait3A_83, %dma_wait3A_84] : memref<2x16x32768xf32, #tpu.memory_space<vmem>> -> memref<1x16x32768xf32, #tpu.memory_space<vmem>>
    %dma_wait3A_86 = tpu.memref_squeeze %dma_wait3A_85 : memref<1x16x32768xf32, #tpu.memory_space<vmem>> -> memref<16x32768xf32, #tpu.memory_space<vmem>>
    tpu.wait_dma2 semaphore(%dma_wait3A_79 : memref<!tpu.dma_semaphore, #tpu.memory_space<semaphore_mem>>) src(%dma_wait3A_86 : memref<16x32768xf32, #tpu.memory_space<vmem>>) dst(%dma_wait3A_82 : memref<16x32768xf32, #tpu.memory_space<any>>)
    return
  }
}

module attributes {stable_mosaic.version = 14 : i64} {
  func.func @_tc_main_body(%arg0: memref<128x32768xf32, #tpu.memory_space<any>>, %arg1: memref<128x32768xf32, #tpu.memory_space<any>>, %arg2: memref<4x16x32768xf32, #tpu.memory_space<vmem>>, %arg3: memref<4x16x32768xf32, #tpu.memory_space<vmem>>, %arg4: memref<4x!tpu.dma_semaphore, #tpu.memory_space<semaphore_mem>>, %arg5: memref<4x!tpu.dma_semaphore, #tpu.memory_space<semaphore_mem>>) attributes {dimension_semantics = [], scalar_prefetch = 0 : i64, scratch_operands = 4 : i64, tpu.core_type = #tpu.core_type<tc>} {
    %dma_start3A = arith.constant 0 : i32
    %dma_start3A_0 = arith.constant 0 : i32
    %dma_start3A_1 = tpu.memref_slice %arg4[%dma_start3A_0] : memref<4x!tpu.dma_semaphore, #tpu.memory_space<semaphore_mem>> -> memref<1x!tpu.dma_semaphore, #tpu.memory_space<semaphore_mem>>
    %dma_start3A_2 = tpu.memref_squeeze %dma_start3A_1 : memref<1x!tpu.dma_semaphore, #tpu.memory_space<semaphore_mem>> -> memref<!tpu.dma_semaphore, #tpu.memory_space<semaphore_mem>>
    %dma_start3A_3 = arith.constant 0 : i32
    %dma_start3A_4 = arith.constant 0 : i32
    %dma_start3A_5 = tpu.memref_slice %arg2[%dma_start3A, %dma_start3A_3, %dma_start3A_4] : memref<4x16x32768xf32, #tpu.memory_space<vmem>> -> memref<1x16x32768xf32, #tpu.memory_space<vmem>>
    %dma_start3A_6 = tpu.memref_squeeze %dma_start3A_5 : memref<1x16x32768xf32, #tpu.memory_space<vmem>> -> memref<16x32768xf32, #tpu.memory_space<vmem>>
    %dma_start3A_7 = arith.constant 0 : i32
    %dma_start3A_8 = arith.constant 0 : i32
    %dma_start3A_9 = tpu.memref_slice %arg0[%dma_start3A_7, %dma_start3A_8] : memref<128x32768xf32, #tpu.memory_space<any>> -> memref<16x32768xf32, #tpu.memory_space<any>>
    tpu.enqueue_dma source(%dma_start3A_9 : memref<16x32768xf32, #tpu.memory_space<any>>) target(%dma_start3A_6 : memref<16x32768xf32, #tpu.memory_space<vmem>>) target_semaphore(%dma_start3A_2 : memref<!tpu.dma_semaphore, #tpu.memory_space<semaphore_mem>>)
    %dma_start3A_10 = arith.constant 1 : i32
    %dma_start3A_11 = arith.constant 1 : i32
    %dma_start3A_12 = tpu.memref_slice %arg4[%dma_start3A_11] : memref<4x!tpu.dma_semaphore, #tpu.memory_space<semaphore_mem>> -> memref<1x!tpu.dma_semaphore, #tpu.memory_space<semaphore_mem>>
    %dma_start3A_13 = tpu.memref_squeeze %dma_start3A_12 : memref<1x!tpu.dma_semaphore, #tpu.memory_space<semaphore_mem>> -> memref<!tpu.dma_semaphore, #tpu.memory_space<semaphore_mem>>
    %dma_start3A_14 = arith.constant 0 : i32
    %dma_start3A_15 = arith.constant 0 : i32
    %dma_start3A_16 = tpu.memref_slice %arg2[%dma_start3A_10, %dma_start3A_14, %dma_start3A_15] : memref<4x16x32768xf32, #tpu.memory_space<vmem>> -> memref<1x16x32768xf32, #tpu.memory_space<vmem>>
    %dma_start3A_17 = tpu.memref_squeeze %dma_start3A_16 : memref<1x16x32768xf32, #tpu.memory_space<vmem>> -> memref<16x32768xf32, #tpu.memory_space<vmem>>
    %dma_start3A_18 = arith.constant 16 : i32
    %dma_start3A_19 = arith.constant 0 : i32
    %dma_start3A_20 = tpu.memref_slice %arg0[%dma_start3A_18, %dma_start3A_19] : memref<128x32768xf32, #tpu.memory_space<any>> -> memref<16x32768xf32, #tpu.memory_space<any>>
    tpu.enqueue_dma source(%dma_start3A_20 : memref<16x32768xf32, #tpu.memory_space<any>>) target(%dma_start3A_17 : memref<16x32768xf32, #tpu.memory_space<vmem>>) target_semaphore(%dma_start3A_13 : memref<!tpu.dma_semaphore, #tpu.memory_space<semaphore_mem>>)
    %dma_start3A_21 = arith.constant 2 : i32
    %dma_start3A_22 = arith.constant 2 : i32
    %dma_start3A_23 = tpu.memref_slice %arg4[%dma_start3A_22] : memref<4x!tpu.dma_semaphore, #tpu.memory_space<semaphore_mem>> -> memref<1x!tpu.dma_semaphore, #tpu.memory_space<semaphore_mem>>
    %dma_start3A_24 = tpu.memref_squeeze %dma_start3A_23 : memref<1x!tpu.dma_semaphore, #tpu.memory_space<semaphore_mem>> -> memref<!tpu.dma_semaphore, #tpu.memory_space<semaphore_mem>>
    %dma_start3A_25 = arith.constant 0 : i32
    %dma_start3A_26 = arith.constant 0 : i32
    %dma_start3A_27 = tpu.memref_slice %arg2[%dma_start3A_21, %dma_start3A_25, %dma_start3A_26] : memref<4x16x32768xf32, #tpu.memory_space<vmem>> -> memref<1x16x32768xf32, #tpu.memory_space<vmem>>
    %dma_start3A_28 = tpu.memref_squeeze %dma_start3A_27 : memref<1x16x32768xf32, #tpu.memory_space<vmem>> -> memref<16x32768xf32, #tpu.memory_space<vmem>>
    %dma_start3A_29 = arith.constant 32 : i32
    %dma_start3A_30 = arith.constant 0 : i32
    %dma_start3A_31 = tpu.memref_slice %arg0[%dma_start3A_29, %dma_start3A_30] : memref<128x32768xf32, #tpu.memory_space<any>> -> memref<16x32768xf32, #tpu.memory_space<any>>
    tpu.enqueue_dma source(%dma_start3A_31 : memref<16x32768xf32, #tpu.memory_space<any>>) target(%dma_start3A_28 : memref<16x32768xf32, #tpu.memory_space<vmem>>) target_semaphore(%dma_start3A_24 : memref<!tpu.dma_semaphore, #tpu.memory_space<semaphore_mem>>)
    %dma_start3A_32 = arith.constant 3 : i32
    %dma_start3A_33 = arith.constant 3 : i32
    %dma_start3A_34 = tpu.memref_slice %arg4[%dma_start3A_33] : memref<4x!tpu.dma_semaphore, #tpu.memory_space<semaphore_mem>> -> memref<1x!tpu.dma_semaphore, #tpu.memory_space<semaphore_mem>>
    %dma_start3A_35 = tpu.memref_squeeze %dma_start3A_34 : memref<1x!tpu.dma_semaphore, #tpu.memory_space<semaphore_mem>> -> memref<!tpu.dma_semaphore, #tpu.memory_space<semaphore_mem>>
    %dma_start3A_36 = arith.constant 0 : i32
    %dma_start3A_37 = arith.constant 0 : i32
    %dma_start3A_38 = tpu.memref_slice %arg2[%dma_start3A_32, %dma_start3A_36, %dma_start3A_37] : memref<4x16x32768xf32, #tpu.memory_space<vmem>> -> memref<1x16x32768xf32, #tpu.memory_space<vmem>>
    %dma_start3A_39 = tpu.memref_squeeze %dma_start3A_38 : memref<1x16x32768xf32, #tpu.memory_space<vmem>> -> memref<16x32768xf32, #tpu.memory_space<vmem>>
    %dma_start3A_40 = arith.constant 48 : i32
    %dma_start3A_41 = arith.constant 0 : i32
    %dma_start3A_42 = tpu.memref_slice %arg0[%dma_start3A_40, %dma_start3A_41] : memref<128x32768xf32, #tpu.memory_space<any>> -> memref<16x32768xf32, #tpu.memory_space<any>>
    tpu.enqueue_dma source(%dma_start3A_42 : memref<16x32768xf32, #tpu.memory_space<any>>) target(%dma_start3A_39 : memref<16x32768xf32, #tpu.memory_space<vmem>>) target_semaphore(%dma_start3A_35 : memref<!tpu.dma_semaphore, #tpu.memory_space<semaphore_mem>>)
    %dma_wait3A = arith.constant 0 : i32
    %dma_wait3A_43 = arith.constant 0 : i32
    %dma_wait3A_44 = tpu.memref_slice %arg4[%dma_wait3A_43] : memref<4x!tpu.dma_semaphore, #tpu.memory_space<semaphore_mem>> -> memref<1x!tpu.dma_semaphore, #tpu.memory_space<semaphore_mem>>
    %dma_wait3A_45 = tpu.memref_squeeze %dma_wait3A_44 : memref<1x!tpu.dma_semaphore, #tpu.memory_space<semaphore_mem>> -> memref<!tpu.dma_semaphore, #tpu.memory_space<semaphore_mem>>
    %dma_wait3A_46 = arith.constant 0 : i32
    %dma_wait3A_47 = arith.constant 0 : i32
    %dma_wait3A_48 = tpu.memref_slice %arg2[%dma_wait3A, %dma_wait3A_46, %dma_wait3A_47] : memref<4x16x32768xf32, #tpu.memory_space<vmem>> -> memref<1x16x32768xf32, #tpu.memory_space<vmem>>
    %dma_wait3A_49 = tpu.memref_squeeze %dma_wait3A_48 : memref<1x16x32768xf32, #tpu.memory_space<vmem>> -> memref<16x32768xf32, #tpu.memory_space<vmem>>
    %dma_wait3A_50 = arith.constant 0 : i32
    %dma_wait3A_51 = arith.constant 0 : i32
    %dma_wait3A_52 = tpu.memref_slice %arg0[%dma_wait3A_50, %dma_wait3A_51] : memref<128x32768xf32, #tpu.memory_space<any>> -> memref<16x32768xf32, #tpu.memory_space<any>>
    tpu.wait_dma2 semaphore(%dma_wait3A_45 : memref<!tpu.dma_semaphore, #tpu.memory_space<semaphore_mem>>) src(%dma_wait3A_52 : memref<16x32768xf32, #tpu.memory_space<any>>) dst(%dma_wait3A_49 : memref<16x32768xf32, #tpu.memory_space<vmem>>)
    %get3A = arith.constant 0 : index
    %get3A_53 = arith.constant 0 : index
    %get3A_54 = arith.constant 0 : index
    %get3A_55 = vector.load %arg2[%get3A, %get3A_53, %get3A_54] : memref<4x16x32768xf32, #tpu.memory_space<vmem>>, vector<1x16x32768xf32>
    %get3A_56 = vector.shape_cast %get3A_55 : vector<1x16x32768xf32> to vector<16x32768xf32>
    %argmax3A = tpu.reduce_index %get3A_56 {axis = 1 : i32, kind = #tpu.reduction_kind<arg_max>} : vector<16x32768xf32> -> vector<16xi32>
    %iota3A = tpu.iota {dimensions = array<i32: 1>} : vector<16x32768xi32>
    %broadcast_in_dim3A = vector.shape_cast %argmax3A : vector<16xi32> to vector<16x1xi32>
    %eq3A = vector.broadcast %broadcast_in_dim3A : vector<16x1xi32> to vector<16x32768xi32>
    %eq3A_57 = arith.cmpi eq, %iota3A, %eq3A : vector<16x32768xi32>
    %convert_element_type3A = arith.extui %eq3A_57 : vector<16x32768xi1> to vector<16x32768xi32>
    %convert_element_type3A_58 = arith.sitofp %convert_element_type3A : vector<16x32768xi32> to vector<16x32768xf32>
    %swap3A = arith.constant 0 : index
    %swap3A_59 = arith.constant 0 : index
    %swap3A_60 = arith.constant 0 : index
    %swap3A_61 = vector.load %arg3[%swap3A, %swap3A_59, %swap3A_60] : memref<4x16x32768xf32, #tpu.memory_space<vmem>>, vector<1x16x32768xf32>
    %swap3A_62 = vector.shape_cast %swap3A_61 : vector<1x16x32768xf32> to vector<16x32768xf32>
    %swap3A_63 = vector.shape_cast %convert_element_type3A_58 : vector<16x32768xf32> to vector<1x16x32768xf32>
    tpu.vector_store %arg3[%swap3A, %swap3A_59, %swap3A_60], %swap3A_63 {strides = array<i32>} : memref<4x16x32768xf32, #tpu.memory_space<vmem>>, vector<1x16x32768xf32>,
    %dma_start3A_64 = arith.constant 0 : i32
    %dma_start3A_65 = arith.constant 0 : i32
    %dma_start3A_66 = tpu.memref_slice %arg5[%dma_start3A_65] : memref<4x!tpu.dma_semaphore, #tpu.memory_space<semaphore_mem>> -> memref<1x!tpu.dma_semaphore, #tpu.memory_space<semaphore_mem>>
    %dma_start3A_67 = tpu.memref_squeeze %dma_start3A_66 : memref<1x!tpu.dma_semaphore, #tpu.memory_space<semaphore_mem>> -> memref<!tpu.dma_semaphore, #tpu.memory_space<semaphore_mem>>
    %dma_start3A_68 = arith.constant 0 : i32
    %dma_start3A_69 = arith.constant 0 : i32
    %dma_start3A_70 = tpu.memref_slice %arg1[%dma_start3A_68, %dma_start3A_69] : memref<128x32768xf32, #tpu.memory_space<any>> -> memref<16x32768xf32, #tpu.memory_space<any>>
    %dma_start3A_71 = arith.constant 0 : i32
    %dma_start3A_72 = arith.constant 0 : i32
    %dma_start3A_73 = tpu.memref_slice %arg3[%dma_start3A_64, %dma_start3A_71, %dma_start3A_72] : memref<4x16x32768xf32, #tpu.memory_space<vmem>> -> memref<1x16x32768xf32, #tpu.memory_space<vmem>>
    %dma_start3A_74 = tpu.memref_squeeze %dma_start3A_73 : memref<1x16x32768xf32, #tpu.memory_space<vmem>> -> memref<16x32768xf32, #tpu.memory_space<vmem>>
    tpu.enqueue_dma source(%dma_start3A_74 : memref<16x32768xf32, #tpu.memory_space<vmem>>) target(%dma_start3A_70 : memref<16x32768xf32, #tpu.memory_space<any>>) target_semaphore(%dma_start3A_67 : memref<!tpu.dma_semaphore, #tpu.memory_space<semaphore_mem>>)
    %dma_start3A_75 = arith.constant 0 : i32
    %dma_start3A_76 = arith.constant 0 : i32
    %dma_start3A_77 = tpu.memref_slice %arg4[%dma_start3A_76] : memref<4x!tpu.dma_semaphore, #tpu.memory_space<semaphore_mem>> -> memref<1x!tpu.dma_semaphore, #tpu.memory_space<semaphore_mem>>
    %dma_start3A_78 = tpu.memref_squeeze %dma_start3A_77 : memref<1x!tpu.dma_semaphore, #tpu.memory_space<semaphore_mem>> -> memref<!tpu.dma_semaphore, #tpu.memory_space<semaphore_mem>>
    %dma_start3A_79 = arith.constant 0 : i32
    %dma_start3A_80 = arith.constant 0 : i32
    %dma_start3A_81 = tpu.memref_slice %arg2[%dma_start3A_75, %dma_start3A_79, %dma_start3A_80] : memref<4x16x32768xf32, #tpu.memory_space<vmem>> -> memref<1x16x32768xf32, #tpu.memory_space<vmem>>
    %dma_start3A_82 = tpu.memref_squeeze %dma_start3A_81 : memref<1x16x32768xf32, #tpu.memory_space<vmem>> -> memref<16x32768xf32, #tpu.memory_space<vmem>>
    %dma_start3A_83 = arith.constant 64 : i32
    %dma_start3A_84 = arith.constant 0 : i32
    %dma_start3A_85 = tpu.memref_slice %arg0[%dma_start3A_83, %dma_start3A_84] : memref<128x32768xf32, #tpu.memory_space<any>> -> memref<16x32768xf32, #tpu.memory_space<any>>
    tpu.enqueue_dma source(%dma_start3A_85 : memref<16x32768xf32, #tpu.memory_space<any>>) target(%dma_start3A_82 : memref<16x32768xf32, #tpu.memory_space<vmem>>) target_semaphore(%dma_start3A_78 : memref<!tpu.dma_semaphore, #tpu.memory_space<semaphore_mem>>)
    %dma_wait3A_86 = arith.constant 1 : i32
    %dma_wait3A_87 = arith.constant 1 : i32
    %dma_wait3A_88 = tpu.memref_slice %arg4[%dma_wait3A_87] : memref<4x!tpu.dma_semaphore, #tpu.memory_space<semaphore_mem>> -> memref<1x!tpu.dma_semaphore, #tpu.memory_space<semaphore_mem>>
    %dma_wait3A_89 = tpu.memref_squeeze %dma_wait3A_88 : memref<1x!tpu.dma_semaphore, #tpu.memory_space<semaphore_mem>> -> memref<!tpu.dma_semaphore, #tpu.memory_space<semaphore_mem>>
    %dma_wait3A_90 = arith.constant 0 : i32
    %dma_wait3A_91 = arith.constant 0 : i32
    %dma_wait3A_92 = tpu.memref_slice %arg2[%dma_wait3A_86, %dma_wait3A_90, %dma_wait3A_91] : memref<4x16x32768xf32, #tpu.memory_space<vmem>> -> memref<1x16x32768xf32, #tpu.memory_space<vmem>>
    %dma_wait3A_93 = tpu.memref_squeeze %dma_wait3A_92 : memref<1x16x32768xf32, #tpu.memory_space<vmem>> -> memref<16x32768xf32, #tpu.memory_space<vmem>>
    %dma_wait3A_94 = arith.constant 16 : i32
    %dma_wait3A_95 = arith.constant 0 : i32
    %dma_wait3A_96 = tpu.memref_slice %arg0[%dma_wait3A_94, %dma_wait3A_95] : memref<128x32768xf32, #tpu.memory_space<any>> -> memref<16x32768xf32, #tpu.memory_space<any>>
    tpu.wait_dma2 semaphore(%dma_wait3A_89 : memref<!tpu.dma_semaphore, #tpu.memory_space<semaphore_mem>>) src(%dma_wait3A_96 : memref<16x32768xf32, #tpu.memory_space<any>>) dst(%dma_wait3A_93 : memref<16x32768xf32, #tpu.memory_space<vmem>>)
    %get3A_97 = arith.constant 1 : index
    %get3A_98 = arith.constant 0 : index
    %get3A_99 = arith.constant 0 : index
    %get3A_100 = vector.load %arg2[%get3A_97, %get3A_98, %get3A_99] : memref<4x16x32768xf32, #tpu.memory_space<vmem>>, vector<1x16x32768xf32>
    %get3A_101 = vector.shape_cast %get3A_100 : vector<1x16x32768xf32> to vector<16x32768xf32>
    %argmax3A_102 = tpu.reduce_index %get3A_101 {axis = 1 : i32, kind = #tpu.reduction_kind<arg_max>} : vector<16x32768xf32> -> vector<16xi32>
    %iota3A_103 = tpu.iota {dimensions = array<i32: 1>} : vector<16x32768xi32>
    %broadcast_in_dim3A_104 = vector.shape_cast %argmax3A_102 : vector<16xi32> to vector<16x1xi32>
    %eq3A_105 = vector.broadcast %broadcast_in_dim3A_104 : vector<16x1xi32> to vector<16x32768xi32>
    %eq3A_106 = arith.cmpi eq, %iota3A_103, %eq3A_105 : vector<16x32768xi32>
    %convert_element_type3A_107 = arith.extui %eq3A_106 : vector<16x32768xi1> to vector<16x32768xi32>
    %convert_element_type3A_108 = arith.sitofp %convert_element_type3A_107 : vector<16x32768xi32> to vector<16x32768xf32>
    %swap3A_109 = arith.constant 1 : index
    %swap3A_110 = arith.constant 0 : index
    %swap3A_111 = arith.constant 0 : index
    %swap3A_112 = vector.load %arg3[%swap3A_109, %swap3A_110, %swap3A_111] : memref<4x16x32768xf32, #tpu.memory_space<vmem>>, vector<1x16x32768xf32>
    %swap3A_113 = vector.shape_cast %swap3A_112 : vector<1x16x32768xf32> to vector<16x32768xf32>
    %swap3A_114 = vector.shape_cast %convert_element_type3A_108 : vector<16x32768xf32> to vector<1x16x32768xf32>
    tpu.vector_store %arg3[%swap3A_109, %swap3A_110, %swap3A_111], %swap3A_114 {strides = array<i32>} : memref<4x16x32768xf32, #tpu.memory_space<vmem>>, vector<1x16x32768xf32>,
    %dma_start3A_115 = arith.constant 1 : i32
    %dma_start3A_116 = arith.constant 1 : i32
    %dma_start3A_117 = tpu.memref_slice %arg5[%dma_start3A_116] : memref<4x!tpu.dma_semaphore, #tpu.memory_space<semaphore_mem>> -> memref<1x!tpu.dma_semaphore, #tpu.memory_space<semaphore_mem>>
    %dma_start3A_118 = tpu.memref_squeeze %dma_start3A_117 : memref<1x!tpu.dma_semaphore, #tpu.memory_space<semaphore_mem>> -> memref<!tpu.dma_semaphore, #tpu.memory_space<semaphore_mem>>
    %dma_start3A_119 = arith.constant 16 : i32
    %dma_start3A_120 = arith.constant 0 : i32
    %dma_start3A_121 = tpu.memref_slice %arg1[%dma_start3A_119, %dma_start3A_120] : memref<128x32768xf32, #tpu.memory_space<any>> -> memref<16x32768xf32, #tpu.memory_space<any>>
    %dma_start3A_122 = arith.constant 0 : i32
    %dma_start3A_123 = arith.constant 0 : i32
    %dma_start3A_124 = tpu.memref_slice %arg3[%dma_start3A_115, %dma_start3A_122, %dma_start3A_123] : memref<4x16x32768xf32, #tpu.memory_space<vmem>> -> memref<1x16x32768xf32, #tpu.memory_space<vmem>>
    %dma_start3A_125 = tpu.memref_squeeze %dma_start3A_124 : memref<1x16x32768xf32, #tpu.memory_space<vmem>> -> memref<16x32768xf32, #tpu.memory_space<vmem>>
    tpu.enqueue_dma source(%dma_start3A_125 : memref<16x32768xf32, #tpu.memory_space<vmem>>) target(%dma_start3A_121 : memref<16x32768xf32, #tpu.memory_space<any>>) target_semaphore(%dma_start3A_118 : memref<!tpu.dma_semaphore, #tpu.memory_space<semaphore_mem>>)
    %dma_start3A_126 = arith.constant 1 : i32
    %dma_start3A_127 = arith.constant 1 : i32
    %dma_start3A_128 = tpu.memref_slice %arg4[%dma_start3A_127] : memref<4x!tpu.dma_semaphore, #tpu.memory_space<semaphore_mem>> -> memref<1x!tpu.dma_semaphore, #tpu.memory_space<semaphore_mem>>
    %dma_start3A_129 = tpu.memref_squeeze %dma_start3A_128 : memref<1x!tpu.dma_semaphore, #tpu.memory_space<semaphore_mem>> -> memref<!tpu.dma_semaphore, #tpu.memory_space<semaphore_mem>>
    %dma_start3A_130 = arith.constant 0 : i32
    %dma_start3A_131 = arith.constant 0 : i32
    %dma_start3A_132 = tpu.memref_slice %arg2[%dma_start3A_126, %dma_start3A_130, %dma_start3A_131] : memref<4x16x32768xf32, #tpu.memory_space<vmem>> -> memref<1x16x32768xf32, #tpu.memory_space<vmem>>
    %dma_start3A_133 = tpu.memref_squeeze %dma_start3A_132 : memref<1x16x32768xf32, #tpu.memory_space<vmem>> -> memref<16x32768xf32, #tpu.memory_space<vmem>>
    %dma_start3A_134 = arith.constant 80 : i32
    %dma_start3A_135 = arith.constant 0 : i32
    %dma_start3A_136 = tpu.memref_slice %arg0[%dma_start3A_134, %dma_start3A_135] : memref<128x32768xf32, #tpu.memory_space<any>> -> memref<16x32768xf32, #tpu.memory_space<any>>
    tpu.enqueue_dma source(%dma_start3A_136 : memref<16x32768xf32, #tpu.memory_space<any>>) target(%dma_start3A_133 : memref<16x32768xf32, #tpu.memory_space<vmem>>) target_semaphore(%dma_start3A_129 : memref<!tpu.dma_semaphore, #tpu.memory_space<semaphore_mem>>)
    %dma_wait3A_137 = arith.constant 2 : i32
    %dma_wait3A_138 = arith.constant 2 : i32
    %dma_wait3A_139 = tpu.memref_slice %arg4[%dma_wait3A_138] : memref<4x!tpu.dma_semaphore, #tpu.memory_space<semaphore_mem>> -> memref<1x!tpu.dma_semaphore, #tpu.memory_space<semaphore_mem>>
    %dma_wait3A_140 = tpu.memref_squeeze %dma_wait3A_139 : memref<1x!tpu.dma_semaphore, #tpu.memory_space<semaphore_mem>> -> memref<!tpu.dma_semaphore, #tpu.memory_space<semaphore_mem>>
    %dma_wait3A_141 = arith.constant 0 : i32
    %dma_wait3A_142 = arith.constant 0 : i32
    %dma_wait3A_143 = tpu.memref_slice %arg2[%dma_wait3A_137, %dma_wait3A_141, %dma_wait3A_142] : memref<4x16x32768xf32, #tpu.memory_space<vmem>> -> memref<1x16x32768xf32, #tpu.memory_space<vmem>>
    %dma_wait3A_144 = tpu.memref_squeeze %dma_wait3A_143 : memref<1x16x32768xf32, #tpu.memory_space<vmem>> -> memref<16x32768xf32, #tpu.memory_space<vmem>>
    %dma_wait3A_145 = arith.constant 32 : i32
    %dma_wait3A_146 = arith.constant 0 : i32
    %dma_wait3A_147 = tpu.memref_slice %arg0[%dma_wait3A_145, %dma_wait3A_146] : memref<128x32768xf32, #tpu.memory_space<any>> -> memref<16x32768xf32, #tpu.memory_space<any>>
    tpu.wait_dma2 semaphore(%dma_wait3A_140 : memref<!tpu.dma_semaphore, #tpu.memory_space<semaphore_mem>>) src(%dma_wait3A_147 : memref<16x32768xf32, #tpu.memory_space<any>>) dst(%dma_wait3A_144 : memref<16x32768xf32, #tpu.memory_space<vmem>>)
    %get3A_148 = arith.constant 2 : index
    %get3A_149 = arith.constant 0 : index
    %get3A_150 = arith.constant 0 : index
    %get3A_151 = vector.load %arg2[%get3A_148, %get3A_149, %get3A_150] : memref<4x16x32768xf32, #tpu.memory_space<vmem>>, vector<1x16x32768xf32>
    %get3A_152 = vector.shape_cast %get3A_151 : vector<1x16x32768xf32> to vector<16x32768xf32>
    %argmax3A_153 = tpu.reduce_index %get3A_152 {axis = 1 : i32, kind = #tpu.reduction_kind<arg_max>} : vector<16x32768xf32> -> vector<16xi32>
    %iota3A_154 = tpu.iota {dimensions = array<i32: 1>} : vector<16x32768xi32>
    %broadcast_in_dim3A_155 = vector.shape_cast %argmax3A_153 : vector<16xi32> to vector<16x1xi32>
    %eq3A_156 = vector.broadcast %broadcast_in_dim3A_155 : vector<16x1xi32> to vector<16x32768xi32>
    %eq3A_157 = arith.cmpi eq, %iota3A_154, %eq3A_156 : vector<16x32768xi32>
    %convert_element_type3A_158 = arith.extui %eq3A_157 : vector<16x32768xi1> to vector<16x32768xi32>
    %convert_element_type3A_159 = arith.sitofp %convert_element_type3A_158 : vector<16x32768xi32> to vector<16x32768xf32>
    %swap3A_160 = arith.constant 2 : index
    %swap3A_161 = arith.constant 0 : index
    %swap3A_162 = arith.constant 0 : index
    %swap3A_163 = vector.load %arg3[%swap3A_160, %swap3A_161, %swap3A_162] : memref<4x16x32768xf32, #tpu.memory_space<vmem>>, vector<1x16x32768xf32>
    %swap3A_164 = vector.shape_cast %swap3A_163 : vector<1x16x32768xf32> to vector<16x32768xf32>
    %swap3A_165 = vector.shape_cast %convert_element_type3A_159 : vector<16x32768xf32> to vector<1x16x32768xf32>
    tpu.vector_store %arg3[%swap3A_160, %swap3A_161, %swap3A_162], %swap3A_165 {strides = array<i32>} : memref<4x16x32768xf32, #tpu.memory_space<vmem>>, vector<1x16x32768xf32>,
    %dma_start3A_166 = arith.constant 2 : i32
    %dma_start3A_167 = arith.constant 2 : i32
    %dma_start3A_168 = tpu.memref_slice %arg5[%dma_start3A_167] : memref<4x!tpu.dma_semaphore, #tpu.memory_space<semaphore_mem>> -> memref<1x!tpu.dma_semaphore, #tpu.memory_space<semaphore_mem>>
    %dma_start3A_169 = tpu.memref_squeeze %dma_start3A_168 : memref<1x!tpu.dma_semaphore, #tpu.memory_space<semaphore_mem>> -> memref<!tpu.dma_semaphore, #tpu.memory_space<semaphore_mem>>
    %dma_start3A_170 = arith.constant 32 : i32
    %dma_start3A_171 = arith.constant 0 : i32
    %dma_start3A_172 = tpu.memref_slice %arg1[%dma_start3A_170, %dma_start3A_171] : memref<128x32768xf32, #tpu.memory_space<any>> -> memref<16x32768xf32, #tpu.memory_space<any>>
    %dma_start3A_173 = arith.constant 0 : i32
    %dma_start3A_174 = arith.constant 0 : i32
    %dma_start3A_175 = tpu.memref_slice %arg3[%dma_start3A_166, %dma_start3A_173, %dma_start3A_174] : memref<4x16x32768xf32, #tpu.memory_space<vmem>> -> memref<1x16x32768xf32, #tpu.memory_space<vmem>>
    %dma_start3A_176 = tpu.memref_squeeze %dma_start3A_175 : memref<1x16x32768xf32, #tpu.memory_space<vmem>> -> memref<16x32768xf32, #tpu.memory_space<vmem>>
    tpu.enqueue_dma source(%dma_start3A_176 : memref<16x32768xf32, #tpu.memory_space<vmem>>) target(%dma_start3A_172 : memref<16x32768xf32, #tpu.memory_space<any>>) target_semaphore(%dma_start3A_169 : memref<!tpu.dma_semaphore, #tpu.memory_space<semaphore_mem>>)
    %dma_wait3A_177 = arith.constant 3 : i32
    %dma_wait3A_178 = arith.constant 3 : i32
    %dma_wait3A_179 = tpu.memref_slice %arg4[%dma_wait3A_178] : memref<4x!tpu.dma_semaphore, #tpu.memory_space<semaphore_mem>> -> memref<1x!tpu.dma_semaphore, #tpu.memory_space<semaphore_mem>>
    %dma_wait3A_180 = tpu.memref_squeeze %dma_wait3A_179 : memref<1x!tpu.dma_semaphore, #tpu.memory_space<semaphore_mem>> -> memref<!tpu.dma_semaphore, #tpu.memory_space<semaphore_mem>>
    %dma_wait3A_181 = arith.constant 0 : i32
    %dma_wait3A_182 = arith.constant 0 : i32
    %dma_wait3A_183 = tpu.memref_slice %arg2[%dma_wait3A_177, %dma_wait3A_181, %dma_wait3A_182] : memref<4x16x32768xf32, #tpu.memory_space<vmem>> -> memref<1x16x32768xf32, #tpu.memory_space<vmem>>
    %dma_wait3A_184 = tpu.memref_squeeze %dma_wait3A_183 : memref<1x16x32768xf32, #tpu.memory_space<vmem>> -> memref<16x32768xf32, #tpu.memory_space<vmem>>
    %dma_wait3A_185 = arith.constant 48 : i32
    %dma_wait3A_186 = arith.constant 0 : i32
    %dma_wait3A_187 = tpu.memref_slice %arg0[%dma_wait3A_185, %dma_wait3A_186] : memref<128x32768xf32, #tpu.memory_space<any>> -> memref<16x32768xf32, #tpu.memory_space<any>>
    tpu.wait_dma2 semaphore(%dma_wait3A_180 : memref<!tpu.dma_semaphore, #tpu.memory_space<semaphore_mem>>) src(%dma_wait3A_187 : memref<16x32768xf32, #tpu.memory_space<any>>) dst(%dma_wait3A_184 : memref<16x32768xf32, #tpu.memory_space<vmem>>)
    %get3A_188 = arith.constant 3 : index
    %get3A_189 = arith.constant 0 : index
    %get3A_190 = arith.constant 0 : index
    %get3A_191 = vector.load %arg2[%get3A_188, %get3A_189, %get3A_190] : memref<4x16x32768xf32, #tpu.memory_space<vmem>>, vector<1x16x32768xf32>
    %get3A_192 = vector.shape_cast %get3A_191 : vector<1x16x32768xf32> to vector<16x32768xf32>
    %argmax3A_193 = tpu.reduce_index %get3A_192 {axis = 1 : i32, kind = #tpu.reduction_kind<arg_max>} : vector<16x32768xf32> -> vector<16xi32>
    %iota3A_194 = tpu.iota {dimensions = array<i32: 1>} : vector<16x32768xi32>
    %broadcast_in_dim3A_195 = vector.shape_cast %argmax3A_193 : vector<16xi32> to vector<16x1xi32>
    %eq3A_196 = vector.broadcast %broadcast_in_dim3A_195 : vector<16x1xi32> to vector<16x32768xi32>
    %eq3A_197 = arith.cmpi eq, %iota3A_194, %eq3A_196 : vector<16x32768xi32>
    %convert_element_type3A_198 = arith.extui %eq3A_197 : vector<16x32768xi1> to vector<16x32768xi32>
    %convert_element_type3A_199 = arith.sitofp %convert_element_type3A_198 : vector<16x32768xi32> to vector<16x32768xf32>
    %swap3A_200 = arith.constant 3 : index
    %swap3A_201 = arith.constant 0 : index
    %swap3A_202 = arith.constant 0 : index
    %swap3A_203 = vector.load %arg3[%swap3A_200, %swap3A_201, %swap3A_202] : memref<4x16x32768xf32, #tpu.memory_space<vmem>>, vector<1x16x32768xf32>
    %swap3A_204 = vector.shape_cast %swap3A_203 : vector<1x16x32768xf32> to vector<16x32768xf32>
    %swap3A_205 = vector.shape_cast %convert_element_type3A_199 : vector<16x32768xf32> to vector<1x16x32768xf32>
    tpu.vector_store %arg3[%swap3A_200, %swap3A_201, %swap3A_202], %swap3A_205 {strides = array<i32>} : memref<4x16x32768xf32, #tpu.memory_space<vmem>>, vector<1x16x32768xf32>,
    %dma_start3A_206 = arith.constant 3 : i32
    %dma_start3A_207 = arith.constant 3 : i32
    %dma_start3A_208 = tpu.memref_slice %arg5[%dma_start3A_207] : memref<4x!tpu.dma_semaphore, #tpu.memory_space<semaphore_mem>> -> memref<1x!tpu.dma_semaphore, #tpu.memory_space<semaphore_mem>>
    %dma_start3A_209 = tpu.memref_squeeze %dma_start3A_208 : memref<1x!tpu.dma_semaphore, #tpu.memory_space<semaphore_mem>> -> memref<!tpu.dma_semaphore, #tpu.memory_space<semaphore_mem>>
    %dma_start3A_210 = arith.constant 48 : i32
    %dma_start3A_211 = arith.constant 0 : i32
    %dma_start3A_212 = tpu.memref_slice %arg1[%dma_start3A_210, %dma_start3A_211] : memref<128x32768xf32, #tpu.memory_space<any>> -> memref<16x32768xf32, #tpu.memory_space<any>>
    %dma_start3A_213 = arith.constant 0 : i32
    %dma_start3A_214 = arith.constant 0 : i32
    %dma_start3A_215 = tpu.memref_slice %arg3[%dma_start3A_206, %dma_start3A_213, %dma_start3A_214] : memref<4x16x32768xf32, #tpu.memory_space<vmem>> -> memref<1x16x32768xf32, #tpu.memory_space<vmem>>
    %dma_start3A_216 = tpu.memref_squeeze %dma_start3A_215 : memref<1x16x32768xf32, #tpu.memory_space<vmem>> -> memref<16x32768xf32, #tpu.memory_space<vmem>>
    tpu.enqueue_dma source(%dma_start3A_216 : memref<16x32768xf32, #tpu.memory_space<vmem>>) target(%dma_start3A_212 : memref<16x32768xf32, #tpu.memory_space<any>>) target_semaphore(%dma_start3A_209 : memref<!tpu.dma_semaphore, #tpu.memory_space<semaphore_mem>>)
    %dma_wait3A_217 = arith.constant 0 : i32
    %dma_wait3A_218 = arith.constant 0 : i32
    %dma_wait3A_219 = tpu.memref_slice %arg4[%dma_wait3A_218] : memref<4x!tpu.dma_semaphore, #tpu.memory_space<semaphore_mem>> -> memref<1x!tpu.dma_semaphore, #tpu.memory_space<semaphore_mem>>
    %dma_wait3A_220 = tpu.memref_squeeze %dma_wait3A_219 : memref<1x!tpu.dma_semaphore, #tpu.memory_space<semaphore_mem>> -> memref<!tpu.dma_semaphore, #tpu.memory_space<semaphore_mem>>
    %dma_wait3A_221 = arith.constant 0 : i32
    %dma_wait3A_222 = arith.constant 0 : i32
    %dma_wait3A_223 = tpu.memref_slice %arg2[%dma_wait3A_217, %dma_wait3A_221, %dma_wait3A_222] : memref<4x16x32768xf32, #tpu.memory_space<vmem>> -> memref<1x16x32768xf32, #tpu.memory_space<vmem>>
    %dma_wait3A_224 = tpu.memref_squeeze %dma_wait3A_223 : memref<1x16x32768xf32, #tpu.memory_space<vmem>> -> memref<16x32768xf32, #tpu.memory_space<vmem>>
    %dma_wait3A_225 = arith.constant 64 : i32
    %dma_wait3A_226 = arith.constant 0 : i32
    %dma_wait3A_227 = tpu.memref_slice %arg0[%dma_wait3A_225, %dma_wait3A_226] : memref<128x32768xf32, #tpu.memory_space<any>> -> memref<16x32768xf32, #tpu.memory_space<any>>
    tpu.wait_dma2 semaphore(%dma_wait3A_220 : memref<!tpu.dma_semaphore, #tpu.memory_space<semaphore_mem>>) src(%dma_wait3A_227 : memref<16x32768xf32, #tpu.memory_space<any>>) dst(%dma_wait3A_224 : memref<16x32768xf32, #tpu.memory_space<vmem>>)
    %get3A_228 = arith.constant 0 : index
    %get3A_229 = arith.constant 0 : index
    %get3A_230 = arith.constant 0 : index
    %get3A_231 = vector.load %arg2[%get3A_228, %get3A_229, %get3A_230] : memref<4x16x32768xf32, #tpu.memory_space<vmem>>, vector<1x16x32768xf32>
    %get3A_232 = vector.shape_cast %get3A_231 : vector<1x16x32768xf32> to vector<16x32768xf32>
    %argmax3A_233 = tpu.reduce_index %get3A_232 {axis = 1 : i32, kind = #tpu.reduction_kind<arg_max>} : vector<16x32768xf32> -> vector<16xi32>
    %iota3A_234 = tpu.iota {dimensions = array<i32: 1>} : vector<16x32768xi32>
    %dma_wait3A_235 = arith.constant 0 : i32
    %dma_wait3A_236 = arith.constant 0 : i32
    %dma_wait3A_237 = tpu.memref_slice %arg5[%dma_wait3A_236] : memref<4x!tpu.dma_semaphore, #tpu.memory_space<semaphore_mem>> -> memref<1x!tpu.dma_semaphore, #tpu.memory_space<semaphore_mem>>
    %dma_wait3A_238 = tpu.memref_squeeze %dma_wait3A_237 : memref<1x!tpu.dma_semaphore, #tpu.memory_space<semaphore_mem>> -> memref<!tpu.dma_semaphore, #tpu.memory_space<semaphore_mem>>
    %dma_wait3A_239 = arith.constant 0 : i32
    %dma_wait3A_240 = arith.constant 0 : i32
    %dma_wait3A_241 = tpu.memref_slice %arg1[%dma_wait3A_239, %dma_wait3A_240] : memref<128x32768xf32, #tpu.memory_space<any>> -> memref<16x32768xf32, #tpu.memory_space<any>>
    %dma_wait3A_242 = arith.constant 0 : i32
    %dma_wait3A_243 = arith.constant 0 : i32
    %dma_wait3A_244 = tpu.memref_slice %arg3[%dma_wait3A_235, %dma_wait3A_242, %dma_wait3A_243] : memref<4x16x32768xf32, #tpu.memory_space<vmem>> -> memref<1x16x32768xf32, #tpu.memory_space<vmem>>
    %dma_wait3A_245 = tpu.memref_squeeze %dma_wait3A_244 : memref<1x16x32768xf32, #tpu.memory_space<vmem>> -> memref<16x32768xf32, #tpu.memory_space<vmem>>
    tpu.wait_dma2 semaphore(%dma_wait3A_238 : memref<!tpu.dma_semaphore, #tpu.memory_space<semaphore_mem>>) src(%dma_wait3A_245 : memref<16x32768xf32, #tpu.memory_space<vmem>>) dst(%dma_wait3A_241 : memref<16x32768xf32, #tpu.memory_space<any>>)
    %broadcast_in_dim3A_246 = vector.shape_cast %argmax3A_233 : vector<16xi32> to vector<16x1xi32>
    %eq3A_247 = vector.broadcast %broadcast_in_dim3A_246 : vector<16x1xi32> to vector<16x32768xi32>
    %eq3A_248 = arith.cmpi eq, %iota3A_234, %eq3A_247 : vector<16x32768xi32>
    %convert_element_type3A_249 = arith.extui %eq3A_248 : vector<16x32768xi1> to vector<16x32768xi32>
    %convert_element_type3A_250 = arith.sitofp %convert_element_type3A_249 : vector<16x32768xi32> to vector<16x32768xf32>
    %swap3A_251 = arith.constant 0 : index
    %swap3A_252 = arith.constant 0 : index
    %swap3A_253 = arith.constant 0 : index
    %swap3A_254 = vector.load %arg3[%swap3A_251, %swap3A_252, %swap3A_253] : memref<4x16x32768xf32, #tpu.memory_space<vmem>>, vector<1x16x32768xf32>
    %swap3A_255 = vector.shape_cast %swap3A_254 : vector<1x16x32768xf32> to vector<16x32768xf32>
    %swap3A_256 = vector.shape_cast %convert_element_type3A_250 : vector<16x32768xf32> to vector<1x16x32768xf32>
    tpu.vector_store %arg3[%swap3A_251, %swap3A_252, %swap3A_253], %swap3A_256 {strides = array<i32>} : memref<4x16x32768xf32, #tpu.memory_space<vmem>>, vector<1x16x32768xf32>,
    %dma_start3A_257 = arith.constant 0 : i32
    %dma_start3A_258 = arith.constant 0 : i32
    %dma_start3A_259 = tpu.memref_slice %arg5[%dma_start3A_258] : memref<4x!tpu.dma_semaphore, #tpu.memory_space<semaphore_mem>> -> memref<1x!tpu.dma_semaphore, #tpu.memory_space<semaphore_mem>>
    %dma_start3A_260 = tpu.memref_squeeze %dma_start3A_259 : memref<1x!tpu.dma_semaphore, #tpu.memory_space<semaphore_mem>> -> memref<!tpu.dma_semaphore, #tpu.memory_space<semaphore_mem>>
    %dma_start3A_261 = arith.constant 64 : i32
    %dma_start3A_262 = arith.constant 0 : i32
    %dma_start3A_263 = tpu.memref_slice %arg1[%dma_start3A_261, %dma_start3A_262] : memref<128x32768xf32, #tpu.memory_space<any>> -> memref<16x32768xf32, #tpu.memory_space<any>>
    %dma_start3A_264 = arith.constant 0 : i32
    %dma_start3A_265 = arith.constant 0 : i32
    %dma_start3A_266 = tpu.memref_slice %arg3[%dma_start3A_257, %dma_start3A_264, %dma_start3A_265] : memref<4x16x32768xf32, #tpu.memory_space<vmem>> -> memref<1x16x32768xf32, #tpu.memory_space<vmem>>
    %dma_start3A_267 = tpu.memref_squeeze %dma_start3A_266 : memref<1x16x32768xf32, #tpu.memory_space<vmem>> -> memref<16x32768xf32, #tpu.memory_space<vmem>>
    tpu.enqueue_dma source(%dma_start3A_267 : memref<16x32768xf32, #tpu.memory_space<vmem>>) target(%dma_start3A_263 : memref<16x32768xf32, #tpu.memory_space<any>>) target_semaphore(%dma_start3A_260 : memref<!tpu.dma_semaphore, #tpu.memory_space<semaphore_mem>>)
    %dma_wait3A_268 = arith.constant 1 : i32
    %dma_wait3A_269 = arith.constant 1 : i32
    %dma_wait3A_270 = tpu.memref_slice %arg4[%dma_wait3A_269] : memref<4x!tpu.dma_semaphore, #tpu.memory_space<semaphore_mem>> -> memref<1x!tpu.dma_semaphore, #tpu.memory_space<semaphore_mem>>
    %dma_wait3A_271 = tpu.memref_squeeze %dma_wait3A_270 : memref<1x!tpu.dma_semaphore, #tpu.memory_space<semaphore_mem>> -> memref<!tpu.dma_semaphore, #tpu.memory_space<semaphore_mem>>
    %dma_wait3A_272 = arith.constant 0 : i32
    %dma_wait3A_273 = arith.constant 0 : i32
    %dma_wait3A_274 = tpu.memref_slice %arg2[%dma_wait3A_268, %dma_wait3A_272, %dma_wait3A_273] : memref<4x16x32768xf32, #tpu.memory_space<vmem>> -> memref<1x16x32768xf32, #tpu.memory_space<vmem>>
    %dma_wait3A_275 = tpu.memref_squeeze %dma_wait3A_274 : memref<1x16x32768xf32, #tpu.memory_space<vmem>> -> memref<16x32768xf32, #tpu.memory_space<vmem>>
    %dma_wait3A_276 = arith.constant 80 : i32
    %dma_wait3A_277 = arith.constant 0 : i32
    %dma_wait3A_278 = tpu.memref_slice %arg0[%dma_wait3A_276, %dma_wait3A_277] : memref<128x32768xf32, #tpu.memory_space<any>> -> memref<16x32768xf32, #tpu.memory_space<any>>
    tpu.wait_dma2 semaphore(%dma_wait3A_271 : memref<!tpu.dma_semaphore, #tpu.memory_space<semaphore_mem>>) src(%dma_wait3A_278 : memref<16x32768xf32, #tpu.memory_space<any>>) dst(%dma_wait3A_275 : memref<16x32768xf32, #tpu.memory_space<vmem>>)
    %get3A_279 = arith.constant 1 : index
    %get3A_280 = arith.constant 0 : index
    %get3A_281 = arith.constant 0 : index
    %get3A_282 = vector.load %arg2[%get3A_279, %get3A_280, %get3A_281] : memref<4x16x32768xf32, #tpu.memory_space<vmem>>, vector<1x16x32768xf32>
    %get3A_283 = vector.shape_cast %get3A_282 : vector<1x16x32768xf32> to vector<16x32768xf32>
    %argmax3A_284 = tpu.reduce_index %get3A_283 {axis = 1 : i32, kind = #tpu.reduction_kind<arg_max>} : vector<16x32768xf32> -> vector<16xi32>
    %iota3A_285 = tpu.iota {dimensions = array<i32: 1>} : vector<16x32768xi32>
    %dma_wait3A_286 = arith.constant 1 : i32
    %dma_wait3A_287 = arith.constant 1 : i32
    %dma_wait3A_288 = tpu.memref_slice %arg5[%dma_wait3A_287] : memref<4x!tpu.dma_semaphore, #tpu.memory_space<semaphore_mem>> -> memref<1x!tpu.dma_semaphore, #tpu.memory_space<semaphore_mem>>
    %dma_wait3A_289 = tpu.memref_squeeze %dma_wait3A_288 : memref<1x!tpu.dma_semaphore, #tpu.memory_space<semaphore_mem>> -> memref<!tpu.dma_semaphore, #tpu.memory_space<semaphore_mem>>
    %dma_wait3A_290 = arith.constant 16 : i32
    %dma_wait3A_291 = arith.constant 0 : i32
    %dma_wait3A_292 = tpu.memref_slice %arg1[%dma_wait3A_290, %dma_wait3A_291] : memref<128x32768xf32, #tpu.memory_space<any>> -> memref<16x32768xf32, #tpu.memory_space<any>>
    %dma_wait3A_293 = arith.constant 0 : i32
    %dma_wait3A_294 = arith.constant 0 : i32
    %dma_wait3A_295 = tpu.memref_slice %arg3[%dma_wait3A_286, %dma_wait3A_293, %dma_wait3A_294] : memref<4x16x32768xf32, #tpu.memory_space<vmem>> -> memref<1x16x32768xf32, #tpu.memory_space<vmem>>
    %dma_wait3A_296 = tpu.memref_squeeze %dma_wait3A_295 : memref<1x16x32768xf32, #tpu.memory_space<vmem>> -> memref<16x32768xf32, #tpu.memory_space<vmem>>
    tpu.wait_dma2 semaphore(%dma_wait3A_289 : memref<!tpu.dma_semaphore, #tpu.memory_space<semaphore_mem>>) src(%dma_wait3A_296 : memref<16x32768xf32, #tpu.memory_space<vmem>>) dst(%dma_wait3A_292 : memref<16x32768xf32, #tpu.memory_space<any>>)
    %broadcast_in_dim3A_297 = vector.shape_cast %argmax3A_284 : vector<16xi32> to vector<16x1xi32>
    %eq3A_298 = vector.broadcast %broadcast_in_dim3A_297 : vector<16x1xi32> to vector<16x32768xi32>
    %eq3A_299 = arith.cmpi eq, %iota3A_285, %eq3A_298 : vector<16x32768xi32>
    %convert_element_type3A_300 = arith.extui %eq3A_299 : vector<16x32768xi1> to vector<16x32768xi32>
    %convert_element_type3A_301 = arith.sitofp %convert_element_type3A_300 : vector<16x32768xi32> to vector<16x32768xf32>
    %swap3A_302 = arith.constant 1 : index
    %swap3A_303 = arith.constant 0 : index
    %swap3A_304 = arith.constant 0 : index
    %swap3A_305 = vector.load %arg3[%swap3A_302, %swap3A_303, %swap3A_304] : memref<4x16x32768xf32, #tpu.memory_space<vmem>>, vector<1x16x32768xf32>
    %swap3A_306 = vector.shape_cast %swap3A_305 : vector<1x16x32768xf32> to vector<16x32768xf32>
    %swap3A_307 = vector.shape_cast %convert_element_type3A_301 : vector<16x32768xf32> to vector<1x16x32768xf32>
    tpu.vector_store %arg3[%swap3A_302, %swap3A_303, %swap3A_304], %swap3A_307 {strides = array<i32>} : memref<4x16x32768xf32, #tpu.memory_space<vmem>>, vector<1x16x32768xf32>,
    %dma_start3A_308 = arith.constant 1 : i32
    %dma_start3A_309 = arith.constant 1 : i32
    %dma_start3A_310 = tpu.memref_slice %arg5[%dma_start3A_309] : memref<4x!tpu.dma_semaphore, #tpu.memory_space<semaphore_mem>> -> memref<1x!tpu.dma_semaphore, #tpu.memory_space<semaphore_mem>>
    %dma_start3A_311 = tpu.memref_squeeze %dma_start3A_310 : memref<1x!tpu.dma_semaphore, #tpu.memory_space<semaphore_mem>> -> memref<!tpu.dma_semaphore, #tpu.memory_space<semaphore_mem>>
    %dma_start3A_312 = arith.constant 80 : i32
    %dma_start3A_313 = arith.constant 0 : i32
    %dma_start3A_314 = tpu.memref_slice %arg1[%dma_start3A_312, %dma_start3A_313] : memref<128x32768xf32, #tpu.memory_space<any>> -> memref<16x32768xf32, #tpu.memory_space<any>>
    %dma_start3A_315 = arith.constant 0 : i32
    %dma_start3A_316 = arith.constant 0 : i32
    %dma_start3A_317 = tpu.memref_slice %arg3[%dma_start3A_308, %dma_start3A_315, %dma_start3A_316] : memref<4x16x32768xf32, #tpu.memory_space<vmem>> -> memref<1x16x32768xf32, #tpu.memory_space<vmem>>
    %dma_start3A_318 = tpu.memref_squeeze %dma_start3A_317 : memref<1x16x32768xf32, #tpu.memory_space<vmem>> -> memref<16x32768xf32, #tpu.memory_space<vmem>>
    tpu.enqueue_dma source(%dma_start3A_318 : memref<16x32768xf32, #tpu.memory_space<vmem>>) target(%dma_start3A_314 : memref<16x32768xf32, #tpu.memory_space<any>>) target_semaphore(%dma_start3A_311 : memref<!tpu.dma_semaphore, #tpu.memory_space<semaphore_mem>>)
    %dma_wait3A_319 = arith.constant 2 : i32
    %dma_wait3A_320 = arith.constant 2 : i32
    %dma_wait3A_321 = tpu.memref_slice %arg5[%dma_wait3A_320] : memref<4x!tpu.dma_semaphore, #tpu.memory_space<semaphore_mem>> -> memref<1x!tpu.dma_semaphore, #tpu.memory_space<semaphore_mem>>
    %dma_wait3A_322 = tpu.memref_squeeze %dma_wait3A_321 : memref<1x!tpu.dma_semaphore, #tpu.memory_space<semaphore_mem>> -> memref<!tpu.dma_semaphore, #tpu.memory_space<semaphore_mem>>
    %dma_wait3A_323 = arith.constant 32 : i32
    %dma_wait3A_324 = arith.constant 0 : i32
    %dma_wait3A_325 = tpu.memref_slice %arg1[%dma_wait3A_323, %dma_wait3A_324] : memref<128x32768xf32, #tpu.memory_space<any>> -> memref<16x32768xf32, #tpu.memory_space<any>>
    %dma_wait3A_326 = arith.constant 0 : i32
    %dma_wait3A_327 = arith.constant 0 : i32
    %dma_wait3A_328 = tpu.memref_slice %arg3[%dma_wait3A_319, %dma_wait3A_326, %dma_wait3A_327] : memref<4x16x32768xf32, #tpu.memory_space<vmem>> -> memref<1x16x32768xf32, #tpu.memory_space<vmem>>
    %dma_wait3A_329 = tpu.memref_squeeze %dma_wait3A_328 : memref<1x16x32768xf32, #tpu.memory_space<vmem>> -> memref<16x32768xf32, #tpu.memory_space<vmem>>
    tpu.wait_dma2 semaphore(%dma_wait3A_322 : memref<!tpu.dma_semaphore, #tpu.memory_space<semaphore_mem>>) src(%dma_wait3A_329 : memref<16x32768xf32, #tpu.memory_space<vmem>>) dst(%dma_wait3A_325 : memref<16x32768xf32, #tpu.memory_space<any>>)
    %dma_wait3A_330 = arith.constant 3 : i32
    %dma_wait3A_331 = arith.constant 3 : i32
    %dma_wait3A_332 = tpu.memref_slice %arg5[%dma_wait3A_331] : memref<4x!tpu.dma_semaphore, #tpu.memory_space<semaphore_mem>> -> memref<1x!tpu.dma_semaphore, #tpu.memory_space<semaphore_mem>>
    %dma_wait3A_333 = tpu.memref_squeeze %dma_wait3A_332 : memref<1x!tpu.dma_semaphore, #tpu.memory_space<semaphore_mem>> -> memref<!tpu.dma_semaphore, #tpu.memory_space<semaphore_mem>>
    %dma_wait3A_334 = arith.constant 48 : i32
    %dma_wait3A_335 = arith.constant 0 : i32
    %dma_wait3A_336 = tpu.memref_slice %arg1[%dma_wait3A_334, %dma_wait3A_335] : memref<128x32768xf32, #tpu.memory_space<any>> -> memref<16x32768xf32, #tpu.memory_space<any>>
    %dma_wait3A_337 = arith.constant 0 : i32
    %dma_wait3A_338 = arith.constant 0 : i32
    %dma_wait3A_339 = tpu.memref_slice %arg3[%dma_wait3A_330, %dma_wait3A_337, %dma_wait3A_338] : memref<4x16x32768xf32, #tpu.memory_space<vmem>> -> memref<1x16x32768xf32, #tpu.memory_space<vmem>>
    %dma_wait3A_340 = tpu.memref_squeeze %dma_wait3A_339 : memref<1x16x32768xf32, #tpu.memory_space<vmem>> -> memref<16x32768xf32, #tpu.memory_space<vmem>>
    tpu.wait_dma2 semaphore(%dma_wait3A_333 : memref<!tpu.dma_semaphore, #tpu.memory_space<semaphore_mem>>) src(%dma_wait3A_340 : memref<16x32768xf32, #tpu.memory_space<vmem>>) dst(%dma_wait3A_336 : memref<16x32768xf32, #tpu.memory_space<any>>)
    %dma_wait3A_341 = arith.constant 0 : i32
    %dma_wait3A_342 = arith.constant 0 : i32
    %dma_wait3A_343 = tpu.memref_slice %arg5[%dma_wait3A_342] : memref<4x!tpu.dma_semaphore, #tpu.memory_space<semaphore_mem>> -> memref<1x!tpu.dma_semaphore, #tpu.memory_space<semaphore_mem>>
    %dma_wait3A_344 = tpu.memref_squeeze %dma_wait3A_343 : memref<1x!tpu.dma_semaphore, #tpu.memory_space<semaphore_mem>> -> memref<!tpu.dma_semaphore, #tpu.memory_space<semaphore_mem>>
    %dma_wait3A_345 = arith.constant 64 : i32
    %dma_wait3A_346 = arith.constant 0 : i32
    %dma_wait3A_347 = tpu.memref_slice %arg1[%dma_wait3A_345, %dma_wait3A_346] : memref<128x32768xf32, #tpu.memory_space<any>> -> memref<16x32768xf32, #tpu.memory_space<any>>
    %dma_wait3A_348 = arith.constant 0 : i32
    %dma_wait3A_349 = arith.constant 0 : i32
    %dma_wait3A_350 = tpu.memref_slice %arg3[%dma_wait3A_341, %dma_wait3A_348, %dma_wait3A_349] : memref<4x16x32768xf32, #tpu.memory_space<vmem>> -> memref<1x16x32768xf32, #tpu.memory_space<vmem>>
    %dma_wait3A_351 = tpu.memref_squeeze %dma_wait3A_350 : memref<1x16x32768xf32, #tpu.memory_space<vmem>> -> memref<16x32768xf32, #tpu.memory_space<vmem>>
    tpu.wait_dma2 semaphore(%dma_wait3A_344 : memref<!tpu.dma_semaphore, #tpu.memory_space<semaphore_mem>>) src(%dma_wait3A_351 : memref<16x32768xf32, #tpu.memory_space<vmem>>) dst(%dma_wait3A_347 : memref<16x32768xf32, #tpu.memory_space<any>>)
    %dma_wait3A_352 = arith.constant 1 : i32
    %dma_wait3A_353 = arith.constant 1 : i32
    %dma_wait3A_354 = tpu.memref_slice %arg5[%dma_wait3A_353] : memref<4x!tpu.dma_semaphore, #tpu.memory_space<semaphore_mem>> -> memref<1x!tpu.dma_semaphore, #tpu.memory_space<semaphore_mem>>
    %dma_wait3A_355 = tpu.memref_squeeze %dma_wait3A_354 : memref<1x!tpu.dma_semaphore, #tpu.memory_space<semaphore_mem>> -> memref<!tpu.dma_semaphore, #tpu.memory_space<semaphore_mem>>
    %dma_wait3A_356 = arith.constant 80 : i32
    %dma_wait3A_357 = arith.constant 0 : i32
    %dma_wait3A_358 = tpu.memref_slice %arg1[%dma_wait3A_356, %dma_wait3A_357] : memref<128x32768xf32, #tpu.memory_space<any>> -> memref<16x32768xf32, #tpu.memory_space<any>>
    %dma_wait3A_359 = arith.constant 0 : i32
    %dma_wait3A_360 = arith.constant 0 : i32
    %dma_wait3A_361 = tpu.memref_slice %arg3[%dma_wait3A_352, %dma_wait3A_359, %dma_wait3A_360] : memref<4x16x32768xf32, #tpu.memory_space<vmem>> -> memref<1x16x32768xf32, #tpu.memory_space<vmem>>
    %dma_wait3A_362 = tpu.memref_squeeze %dma_wait3A_361 : memref<1x16x32768xf32, #tpu.memory_space<vmem>> -> memref<16x32768xf32, #tpu.memory_space<vmem>>
    tpu.wait_dma2 semaphore(%dma_wait3A_355 : memref<!tpu.dma_semaphore, #tpu.memory_space<semaphore_mem>>) src(%dma_wait3A_362 : memref<16x32768xf32, #tpu.memory_space<vmem>>) dst(%dma_wait3A_358 : memref<16x32768xf32, #tpu.memory_space<any>>)
    return
  }
}

</mosaic_0001>

<sc_bundles>
// kernel: kernel.5.cloned.1.call-start
scs
__scs_entry_jumppad:
0x0: {  	(pc) =	sbr.rel $0x88, $3  }
0x1: {  	(tag) =	ssettag $0x0;
	lr =	simm.s32 $0x1  }
0x2: {  	[smem:$0x3FA0] =	sst lr;
	_ =	strace $0xD0000000  }
0x3: {  	_ = 	snop  }
0x4: {  	_ = 	snop  }
0x5: {  	_ = 	snop  }
0x6: {  	_ = 	snop  }
0x7: {  	_ = 	snop  }
__scs_overlays_trampoline_lowered:
0x8: {  	[smem:$0x3FAF] =	sst s0  }
0x9: {  	[smem:$0x3FB0] =	sst s1  }
0xa: {  	[smem:$0x3FB1] =	sst s2  }
0xb: {  	[smem:$0x3FB2] =	sst s3  }
0xc: {  	[smem:$0x3FB3] =	sst s4  }
0xd: {  	[smem:$0x3FB4] =	sst s5  }
0xe: {  	[smem:$0x3FB5] =	sst s6  }
0xf: {  	[smem:$0x3FB6] =	sst s7  }
0x10: {  	[smem:$0x3FB7] =	sst s8  }
0x11: {  	[smem:$0x3FB8] =	sst s9;
	s0 =	simm.s32 @!p0 $0x0  }
0x12: {  	s1 =	sld [smem:$0x3F9E];
	s0 =	simm.s32 @p0 $0x1  }
0x13: {  	[smem:$0x3FB9] =	sst s0;
	s0 =	simm.s32 @!p1 $0x0  }
0x14: {  	s2 =	sld [smem:$0x3F9D];
	s0 =	simm.s32 @p1 $0x1  }
0x15: {  	[smem:$0x3FBA] =	sst s0;
	s0 =	simm.s32 @!p2 $0x0  }
0x16: {  	s3 =	sld [smem:$0x3FDB];
	s0 =	simm.s32 @p2 $0x1  }
0x17: {  	s4 =	simm.s32 $0x1BF5;
	[smem:$0x3FBC] =	sst s0  }
0x18: {  	s0 =	sld [smem:$0x3F9F];
	_ =	swait.ge [sflag:s4], $0x0  }
0x19: {  	s7 =	sld [smem:$0x3FA0]  }
0x1a: {  	s8 =	sadd.s32 $0xFFFFE003, lr  }
0x1b: {  	s9 =	sadd.s32 $0xFFFFFEF7, lr;
	s5 =	simm.s32 $0xFFFFFFFF;
	p2 =	slt.u32 s8, $0xFFFFF086  }
0x1c: {  	p1 =	slt.u32 s9, $0xF7A;
	s5 =	simm.s32 @!p2 $0x0  }
0x1d: {  	s5 =	simm.s32 @p1 $0x1;
	p0 =	seq.s32 s7, s2  }
0x1e: {  	s7 =	smul.u32 @!p0 $0xF7A, s2;
	p2 =	seq.s32 @!p0 s5, $0x0  }
0x1f: {  	s9 =	smul.u32 $0xF7A, s1;
	s8 =	simm.s32 @!p0 $0x1BF5;
	p2 =	por !p2, p0  }
0x20: {  	[sflag:s8] =	ssyncset.s32 @!p0 $0xFFFFF086;
	s6 =	sadd.s32 @!p0 s3, s7;
	s7 =	simm.s32 @!p0 $0x108  }
0x21: {  	s3 =	sadd.s32 s3, s9;
	s6 =	sadd.s32 @!p0 $0x88, s6;
	s7 =	simm.s32 @p2 $0x1082  }
0x22: {  	[simem:s7], [sflag:s8] =	dma.local @!p0 [hbm:s6], $0xF7A  }
0x23: {  	s9 =	sor.u32 $0xD0000000, s2;
	s6 =	simm.s32 $0x108;
	_ =	swait.ge @!p0 [sflag:s8], $0x0  }
0x24: {  	s3 =	sadd.s32 $0x88, s3;
	s6 =	simm.s32 @!p1 $0x1082;
	[sflag:s4] =	ssyncset.s32 $0xFFFFF086  }
0x25: {  	[simem:s6], [sflag:s4] =	dma.local [hbm:s3], $0xF7A  }
0x26: {  	[smem:$0x3FA0] =	sst s1;
	(tag) =	ssettag s2;
	_ =	strace s9  }
0x27: {  	s1 =	sld [smem:$0x3FB0]  }
0x28: {  	s2 =	sld [smem:$0x3FB1]  }
0x29: {  	s4 =	sld [smem:$0x3FB3]  }
0x2a: {  	p0 =	seq.s32 s5, $0x0;
	s5 =	sld [smem:$0x3FB4]  }
0x2b: {  	s6 =	sld [smem:$0x3FB5]  }
0x2c: {  	s7 =	sld [smem:$0x3FB6]  }
0x2d: {  	s3 =	simm.s32 $0x108;
	s8 =	sld [smem:$0x3FB7]  }
0x2e: {  	s3 =	simm.s32 @!p0 $0x1082;
	s9 =	sld [smem:$0x3FB8]  }
0x2f: {  	lr =	sadd.s32 s0, s3;
	s0 =	sld [smem:$0x3FAF]  }
0x30: {  	s3 =	sld [smem:$0x3FB2]  }
0x31: {  	[smem:$0x3FBB] =	sst s10  }
0x32: {  	s10 =	sld [smem:$0x3FB9];
	_ =	sdelay $0x3  }
0x33: {  	p0 =	seq.s32 s10, $0x1;
	s10 =	sld [smem:$0x3FBB];
	_ =	sdelay $0x3  }
0x34: {  	[smem:$0x3FBB] =	sst s10  }
0x35: {  	s10 =	sld [smem:$0x3FBA];
	_ =	sdelay $0x3  }
0x36: {  	p1 =	seq.s32 s10, $0x1;
	s10 =	sld [smem:$0x3FBB];
	_ =	sdelay $0x3  }
0x37: {  	[smem:$0x3FBB] =	sst s10  }
0x38: {  	s10 =	sld [smem:$0x3FBC]  }
0x39: {  	_ = 	snop;
	(pc) =	sbr.ind lr, $3  }
0x3a: {  	_ = 	snop  }
0x3b: {  	_ = 	snop  }
0x3c: {  	p2 =	seq.s32 s10, $0x1;
	s10 =	sld [smem:$0x3FBB]  }
0x3d: {  	_ =	shalt  }
0x3e: {  	_ =	shalt  }
0x3f: {  	_ =	shalt  }
0x40: {  	_ =	shalt  }
0x41: {  	_ =	shalt  }
0x42: {  	_ =	shalt  }
0x43: {  	_ =	shalt  }
0x44: {  	_ =	shalt  }
0x45: {  	_ =	shalt  }
0x46: {  	_ =	shalt  }
0x47: {  	_ =	shalt  }
0x48: {  	_ =	shalt  }
0x49: {  	_ =	shalt  }
0x4a: {  	_ =	shalt  }
0x4b: {  	_ =	shalt  }
0x4c: {  	_ =	shalt  }
0x4d: {  	_ =	shalt  }
0x4e: {  	_ =	shalt  }
0x4f: {  	_ =	shalt  }
0x50: {  	_ =	shalt  }
0x51: {  	_ =	shalt  }
0x52: {  	_ =	shalt  }
0x53: {  	_ =	shalt  }
0x54: {  	_ =	shalt  }
0x55: {  	_ =	shalt  }
0x56: {  	_ =	shalt  }
0x57: {  	_ =	shalt  }
0x58: {  	_ =	shalt  }
0x59: {  	_ =	shalt  }
0x5a: {  	_ =	shalt  }
0x5b: {  	_ =	shalt  }
0x5c: {  	_ =	shalt  }
0x5d: {  	_ =	shalt  }
0x5e: {  	_ =	shalt  }
0x5f: {  	_ =	shalt  }
0x60: {  	_ =	shalt  }
0x61: {  	_ =	shalt  }
0x62: {  	_ =	shalt  }
0x63: {  	_ =	shalt  }
0x64: {  	_ =	shalt  }
0x65: {  	_ =	shalt  }
0x66: {  	_ =	shalt  }
0x67: {  	_ =	shalt  }
0x68: {  	_ =	shalt  }
0x69: {  	_ =	shalt  }
0x6a: {  	_ =	shalt  }
0x6b: {  	_ =	shalt  }
0x6c: {  	_ =	shalt  }
0x6d: {  	_ =	shalt  }
0x6e: {  	_ =	shalt  }
0x6f: {  	_ =	shalt  }
0x70: {  	_ =	shalt  }
0x71: {  	_ =	shalt  }
0x72: {  	_ =	shalt  }
0x73: {  	_ =	shalt  }
0x74: {  	_ =	shalt  }
0x75: {  	_ =	shalt  }
0x76: {  	_ =	shalt  }
0x77: {  	_ =	shalt  }
0x78: {  	_ =	shalt  }
0x79: {  	_ =	shalt  }
0x7a: {  	_ =	shalt  }
0x7b: {  	_ =	shalt  }
0x7c: {  	_ =	shalt  }
0x7d: {  	_ =	shalt  }
0x7e: {  	_ =	shalt  }
0x7f: {  	_ =	shalt  }
0x80: {  	_ =	shalt  }
0x81: {  	_ =	shalt  }
0x82: {  	_ =	shalt  }
0x83: {  	_ =	shalt  }
0x84: {  	_ =	shalt  }
0x85: {  	_ =	shalt  }
0x86: {  	_ =	shalt  }
0x87: {  	_ =	shalt  }
.Lfunc_end0:
.L_simem_size_0:
called_computation_lowered:
.L_overlay_start_0:
0x88: {  	s2 =	sld [smem:$0x3FD9]  }
0x89: {  	s3 =	sld [smem:$0x3FFE];
	_ =	sdelay $0x1  }
0x8a: {  	s1 =	srdreg.scid  }
0x8b: {  	s0 =	sand.u32 $0x1, s1  }
0x8c: {  	s17 =	sshll.u32 s0, $0xA;
	s2 =	sadd.s32 s3, s2  }
0x8d: {  	s2 =	sadd.s32 s2, s17  }
0x8e: {  	[smem:$0x3FC7] =	sst s2  }
0x8f: {  	_ = 	snop  }
0x90: {  	s2 =	sld [smem:$0x3FC9];
	(tm) =	ssettm $0x1  }
0x91: {  	s18 =	sld [smem:$0x3FFB];
	_ =	sdelay $0x3  }
0x92: {  	_ =	strace s18  }
0x93: {  	s3 =	sld [smem:$0x3FFC];
	_ =	sdelay $0x3  }
0x94: {  	_ =	strace s3  }
0x95: {  	s3 =	sld [smem:$0x3FFD];
	_ =	sdelay $0x3  }
0x96: {  	_ =	strace s3  }
0x97: {  	_ =	strace $0x8FFFFFFF  }
0x98: {  	s19 =	sld [smem:$0x3FDB];
	_ =	sdelay $0x1  }
0x99: {  	s4 =	simm.s32 $_scs_section_size  }
0x9a: {  	s5 =	simm.s32 $_size__tile_overlayer_lowered;
	s6 =	simm.s32 $_tile_overlayer_lowered  }
0x9b: {  	s22 =	simm.s32 $0x1BFF;
	s21 =	sshll.u32 s6, $0x1;
	s3 =	sadd.s32 s4, s19  }
0x9c: {  	s7 =	simm.s32 $0x0;
	s20 =	sshll.u32 s5, $0x1;
	s5 =	sadd.s32 s21, s3  }
0x9d: {  	[timem:s7], [sflag:s22] =	dma.local [hbm:s5], s20  }
0x9e: {  	_ =	swait.ge [sflag:s22], s20  }
0x9f: {  	s4 =	ssub.s32 $0x0, s20;
	[sflag:s22] =	ssyncset.done $0x0  }
0xa0: {  	[sflag:s22] =	ssyncadd.s32 s4;
	_ =	sdelay $0x1  }
0xa1: {  	s23 =	simm.s32 $0x1B8B  }
0xa2: {  	_ =	swait.ge [sflag:s23], $0x1  }
0xa3: {  	[sflag:s23] =	ssyncset.done $0x0  }
0xa4: {  	s25 =	simm.s32 $0x1B8E;
	s24 =	sld [smem:$0x3FFE];
	[sflag:s23] =	ssyncadd.s32 $0xFFFFFFFF  }
0xa5: {  	s26 =	simm.s32 $execute0_lowered;
	[smem:$0x3FD2] =	sst s25  }
0xa6: {  	s5 =	sshll.u32 s26, $0x1;
	_ =	strace $0x80000046;
	[dreg:$0x1] =	wrdreg $0xFFFFFFFF  }
0xa7: {  	s28 =	simm.s32 $_size_execute0_lowered;
	s3 =	sadd.s32 s3, s5;
	[dreg:$0x0] =	wrdreg $0x0  }
0xa8: {  	s5 =	sshll.u32 s28, $0x1;
	[dreg:$0x2] =	wrdreg s3  }
0xa9: {  	[dreg:$0x3] =	wrdreg s5  }
0xaa: {  	[dreg:$0x4] =	wrdreg $0xC0  }
0xab: {  	_ =	task [dreg:s7], $0x5FFFF  }
0xac: {  	[dreg:$0x1] =	wrdreg $0xFFFFFFFF  }
0xad: {  	[dreg:$0x0] =	wrdreg $0x60  }
0xae: {  	[dreg:$0x2] =	wrdreg s2  }
0xaf: {  	[dreg:$0x3] =	wrdreg s24  }
0xb0: {  	[dreg:$0x4] =	wrdreg $0x9  }
0xb1: {  	_ =	task.clear_ibuf [dreg:s7], $0x5FFFF;
	_ =	strace $0x90000046  }
0xb2: {  	s29 =	simm.s32 $0x9;
	_ =	strace $0x80000048  }
0xb3: {  	_ =	swait.ge [sflag:s29], $0x1  }
0xb4: {  	[sflag:s29] =	ssyncadd.s32 $0xFFFFFFFF  }
0xb5: {  	_ =	strace $0x90000048  }
0xb6: {  	_ =	sfence  }
0xb7: {  	s30 =	sld [smem:$0x0];
	_ =	sdelay $0x2  }
0xb8: {  	s31 =	sshll.u32 s1, $0xD;
	s1 =	sshrl.u32 s1, $0x2  }
0xb9: {  	s3 =	sand.u32 $0x4000, s31;
	s1 =	sadd.s32 s1, s30  }
0xba: {  	s0 =	sor.u32 s3, s0;
	s1 =	sshll.u32 s1, $0x11  }
0xbb: {  	s0 =	sor.u32 s1, s0  }
0xbc: {  	s0 =	sadd.s32 $0x8F2B, s0  }
0xbd: {  	[sflag:s0] =	ssyncadd.remote.s32 $0x1  }
0xbe: {  	_ =	sfence.sel $0xFFFF  }
0xbf: {  	[dreg:$0x0] =	wrdreg $0xFFFFFFFF;
	(pc) =	sbr.abs _section_cstart, $3  }
0xc0: {  	[dreg:$0x1] =	wrdreg $0xFFFFFFFF  }
0xc1: {  	_ =	task.clear_ibuf [dreg:s7], $0x2FFFF;
	_ =	strace $0x9FFFFFFF  }
0xc2: {  	(tm) =	ssettm $0x7FFFFFFF  }
0xc3: {  	_ =	shalt  }
tec
execute0_lowered:
.L_overlay_start_1:
0x0: {  	(tag) =	ssettag $0x1  }
0x1: {  	s3 =	rddreg [dreg:$0x0]  }
0x2: {  	s4 =	rddreg [dreg:$0x1]  }
0x3: {  	s0 =	rddreg [dreg:$0x2];
	s2 =	simm.s32 $0x0  }
0x4: {  	s5 =	srdreg.scid;
	s1 =	stileid.u32;
	s10 =	simm.s32 $0x8000  }
0x5: {  	s11 =	simm.s32 $0x8080;
	s12 =	simm.s32 $0x2;
	s13 =	simm.s32 $0x3  }
0x6: {  	s14 =	simm.s32 $0x0;
	[smem:$0x7FF] =	sst s2;
	s5 =	sand.u32 $0x1, s5  }
0x7: {  	s6 =	sshll.u32 s1, $0x8;
	s9 =	sshll.u32 s1, $0x10;
	_ =	strace $0x80000047  }
0x8: {  	s7 =	sshll.u32 s5, $0x7;
	s8 =	sand.u32 $0x300, s6;
	s6 =	sand.u32 $0xC00, s6  }
0x9: {  	s30 =	sand.u32 $0xC0000, s9;
	s5 =	ssub.s32 $0x2, s5;
	s7 =	sor.u32 s7, s8  }
0xa: {  	s9 =	simm.s32 $0x1;
	s6 =	sor.u32 s6, s7;
	s7 =	sor.u32 s30, s7  }
0xb: {  	s31 =	sshrl.u32 s5, $0x1;
	s6 =	sshrl.u32 s6, $0x3;
	s7 =	sshrl.u32 s7, $0x3  }
0xc: {  	s8 =	ssub.s32 s5, s31;
	s6 =	sadd.s32 s6, s4;
	s3 =	sadd.s32 s7, s3  }
0xd: {  	s7 =	simm.s32 $0x80;
	s3 =	sadd.s32 $0x60000, s3;
	s4 =	sadd.s32 $0xE00, s6  }
0xe: {  	v0 =	vlaneseq.u32;
	s5 =	sadd.s32 $0x1000, s6;
	s6 =	smax.u32 s8, $0x1;
	s8 =	simm.s32 $0x400  }
.LBB2_1:
0xf: {  	[tilespmem:s2], [sflag:$0x1] =	stream.strided.gather [hbm4b:s3+s7], $0x8000, s8, s7, $0x38;
	[tilespmem:$0x8100] =	vst v63  }
0x10: {  	_ =	swait.ge [sflag:s9], $0x8000  }
0x11: {  	[sflag:s9] =	ssyncset.done $0x0  }
0x12: {  	s15 =	simm.s32 $0x40;
	[sflag:s9] =	ssyncadd.s32 $0xFFFF8000  }
0x13: {  	v10 =	vimm.f32 $-Inf;
	v11 =	vimm.s32 $0x0;
	v20 =	vld [tilespmem:s15+$0xFFFFFFC0]  }
0x14: {  	v26 =	vimm.f32 $-Inf;
	v21 =	vimm.f32 $-Inf;
	v13 =	vimm.f32 $-Inf;
	v24 =	vld [tilespmem:s15+$0xFFFFFFD0]  }
0x15: {  	v7 =	vimm.f32 $-Inf;
	v5 =	vimm.f32 $-Inf;
	v3 =	vimm.f32 $-Inf;
	v23 =	vld [tilespmem:s15+$0xFFFFFFE0]  }
0x16: {  	v2 =	vimm.f32 $-Inf;
	v30 =	vimm.s32 $0x0;
	v28 =	vimm.s32 $0x0;
	v22 =	vld [tilespmem:s15+$0xFFFFFFF0]  }
0x17: {  	s16 =	simm.s32 $0x70;
	v19 =	vimm.s32 $0x0;
	v12 =	vimm.s32 $0x0;
	v8 =	vimm.s32 $0x0;
	v18 =	vld [tilespmem:s15+$0x0]  }
0x18: {  	s17 =	simm.s32 $0x0;
	s18 =	simm.s32 $0x10;
	s19 =	simm.s32 $0x20;
	v6 =	vimm.s32 $0x0;
	v4 =	vimm.s32 $0x0;
	v1 =	vor.u32 s16, v0;
	v14 =	vld [tilespmem:s15+$0x10]  }
0x19: {  	s29 =	simm.s32 $0x30;
	s30 =	simm.s32 $0x40;
	s31 =	simm.s32 $0x50;
	v31 =	vor.u32 s17, v0;
	v29 =	vor.u32 s18, v0;
	v27 =	vor.u32 s19, v0;
	v15 =	vld [tilespmem:s15+$0x20]  }
0x1a: {  	v25 =	vor.u32 s29, v0;
	v17 =	vor.u32 s30, v0;
	v9 =	vor.u32 s31, v0;
	s16 =	simm.s32 $0x60;
	s17 =	simm.s32 $0xF0;
	v16 =	vld [tilespmem:s15+$0x30]  }
.LBB2_2:
0x1b: {  	p0 =	sne.s32 s17, $0x7FF0;
	vm0 =	vgt.f32 v20, v10;
	vm1 =	vgt.f32 v24, v26;
	v32 =	vor.u32 s16, v0  }
0x1c: {  	v10 =	vsel vm0, v20, v10;
	v11 =	vsel vm0, v31, v11;
	v26 =	vsel vm1, v24, v26  }
0x1d: {  	vm2 =	vgt.f32 v22, v13;
	s15 =	sadd.s32 $0x80, s15;
	vm0 =	vgt.f32 v23, v21;
	vm3 =	vgt.f32 v18, v7  }
0x1e: {  	v13 =	vsel vm2, v22, v13;
	v21 =	vsel vm0, v23, v21;
	v7 =	vsel vm3, v18, v7;
	v20 =	vld [tilespmem:s15+$0xFFFFFFC0]  }
0x1f: {  	vm4 =	vgt.f32 v14, v5;
	vm5 =	vgt.f32 v15, v3;
	v24 =	vld [tilespmem:s15+$0xFFFFFFD0];
	vm6 =	vgt.f32 v16, v2  }
0x20: {  	v5 =	vsel vm4, v14, v5;
	v3 =	vsel vm5, v15, v3;
	v23 =	vld [tilespmem:s15+$0xFFFFFFE0];
	v2 =	vsel vm6, v16, v2  }
.Ltmp0:
0x21: {  	v30 =	vsel vm1, v29, v30;
	v19 =	vsel vm2, v25, v19;
	v28 =	vsel vm0, v27, v28;
	v22 =	vld [tilespmem:s15+$0xFFFFFFF0];
	(pc) =	sbr.rel @p0 .LBB2_2-.Ltmp0, $4  }
0x22: {  	v12 =	vsel vm3, v17, v12;
	v8 =	vsel vm4, v9, v8;
	v6 =	vsel vm5, v32, v6;
	v18 =	vld [tilespmem:s15+$0x0]  }
0x23: {  	s16 =	sadd.s32 $0xFFFFFF90, s17;
	s18 =	sadd.s32 $0xFFFFFFA0, s17;
	s19 =	sadd.s32 $0xFFFFFFB0, s17;
	v4 =	vsel vm6, v1, v4;
	v1 =	vor.u32 s17, v0;
	v14 =	vld [tilespmem:s15+$0x10]  }
0x24: {  	v31 =	vor.u32 s16, v0;
	v29 =	vor.u32 s18, v0;
	s16 =	sadd.s32 $0xFFFFFFC0, s17;
	s18 =	sadd.s32 $0xFFFFFFD0, s17;
	v27 =	vor.u32 s19, v0;
	s19 =	sadd.s32 $0xFFFFFFE0, s17;
	v15 =	vld [tilespmem:s15+$0x20]  }
0x25: {  	v25 =	vor.u32 s16, v0;
	v17 =	vor.u32 s18, v0;
	s16 =	sadd.s32 $0xFFFFFFF0, s17;
	v9 =	vor.u32 s19, v0;
	s17 =	sadd.s32 $0x80, s17;
	v16 =	vld [tilespmem:s15+$0x30]  }
0x26: {  	vm0 =	vgt.f32 v20, v10  }
0x27: {  	vm1 =	vgt.f32 v24, v26;
	v10 =	vsel vm0, v20, v10  }
0x28: {  	v11 =	vsel vm0, v31, v11;
	v57 =	vsel vm1, v24, v26;
	v58 =	vsel vm1, v29, v30  }
0x29: {  	vm12 =	veq.f32 v57, v10;
	vm1 =	vlt.s32 v58, v11  }
0x2a: {  	vm2 =	vgt.f32 v23, v21;
	vm3 =	vgt.f32 v57, v10;
	vm0 =	vmand vm12, vm1  }
0x2b: {  	v21 =	vsel vm2, v23, v21;
	vm0 =	vmor vm3, vm0  }
0x2c: {  	v59 =	vsel vm2, v27, v28;
	v10 =	vsel vm0, v57, v10;
	v11 =	vsel vm0, v58, v11  }
0x2d: {  	vm13 =	veq.f32 v21, v10;
	vm14 =	vlt.s32 v59, v11  }
0x2e: {  	vm15 =	vgt.f32 v22, v13;
	vm6 =	vgt.f32 v21, v10;
	vm0 =	vmand vm13, vm14  }
0x2f: {  	v13 =	vsel vm15, v22, v13;
	vm0 =	vmor vm6, vm0  }
0x30: {  	v19 =	vsel vm15, v25, v19;
	v10 =	vsel vm0, v21, v10;
	v11 =	vsel vm0, v59, v11  }
0x31: {  	vm7 =	veq.f32 v13, v10;
	vm8 =	vlt.s32 v19, v11  }
0x32: {  	vm9 =	vgt.f32 v18, v7;
	vm10 =	vgt.f32 v13, v10;
	vm0 =	vmand vm7, vm8  }
0x33: {  	v7 =	vsel vm9, v18, v7;
	vm0 =	vmor vm10, vm0  }
0x34: {  	v12 =	vsel vm9, v17, v12;
	v10 =	vsel vm0, v13, v10;
	v11 =	vsel vm0, v19, v11  }
0x35: {  	vm11 =	veq.f32 v7, v10;
	vm12 =	vlt.s32 v12, v11  }
0x36: {  	vm13 =	vgt.f32 v14, v5;
	vm14 =	vgt.f32 v7, v10;
	vm0 =	vmand vm11, vm12  }
0x37: {  	v5 =	vsel vm13, v14, v5;
	vm0 =	vmor vm14, vm0  }
0x38: {  	v8 =	vsel vm13, v9, v8;
	v7 =	vsel vm0, v7, v10;
	v60 =	vsel vm0, v12, v11  }
0x39: {  	vm15 =	veq.f32 v5, v7;
	vm6 =	vlt.s32 v8, v60  }
0x3a: {  	vm7 =	vgt.f32 v15, v3;
	vm8 =	vgt.f32 v5, v7;
	vm0 =	vmand vm15, vm6  }
0x3b: {  	v61 =	vor.u32 s16, v0;
	v3 =	vsel vm7, v15, v3;
	vm0 =	vmor vm8, vm0  }
0x3c: {  	v6 =	vsel vm7, v61, v6;
	v5 =	vsel vm0, v5, v7;
	v62 =	vsel vm0, v8, v60  }
0x3d: {  	vm9 =	veq.f32 v3, v5;
	vm10 =	vlt.s32 v6, v62  }
0x3e: {  	vm11 =	vgt.f32 v16, v2;
	vm12 =	vgt.f32 v3, v5;
	vm0 =	vmand vm9, vm10  }
0x3f: {  	v2 =	vsel vm11, v16, v2;
	vm0 =	vmor vm12, vm0  }
0x40: {  	v1 =	vsel vm11, v1, v4;
	v3 =	vsel vm0, v3, v5;
	v63 =	vsel vm0, v6, v62  }
0x41: {  	vm13 =	veq.f32 v2, v3;
	vm14 =	vlt.s32 v1, v63  }
0x42: {  	vm15 =	vgt.f32 v2, v3;
	vm0 =	vmand vm13, vm14  }
0x43: {  	vm0 =	vmor vm15, vm0  }
0x44: {  	v2 =	vsel vm0, v2, v3  }
0x45: {  	v1 =	vsel vm0, v1, v63;
	[tilespmem:$0x8000] =	vst v2  }
0x46: {  	[tilespmem:$0x8080] =	vst v1  }
0x47: {  	[hbm4b:s4+s2] =	stream.linear.scatter [tilespmem:s10], [sflag:$0x2], $0x80, $0x38;
	[tilespmem:$0x8100] =	vst v63  }
0x48: {  	s14 =	sadd.s32 $0x1, s14  }
0x49: {  	[hbm4b:s5+s2] =	stream.linear.scatter [tilespmem:s11], [sflag:$0x3], $0x80, $0x38;
	[tilespmem:$0x8100] =	vst v63  }
0x4a: {  	p0 =	sne.s32 s14, s6;
	_ =	swait.ge [sflag:s12], $0x80  }
.Ltmp1:
0x4b: {  	[sflag:s12] =	ssyncset.done $0x0;
	(pc) =	sbr.rel @p0 .LBB2_1-.Ltmp1, $4  }
0x4c: {  	[sflag:s12] =	ssyncadd.s32 $0xFFFFFF80  }
0x4d: {  	_ =	swait.ge [sflag:s13], $0x80  }
0x4e: {  	[sflag:s13] =	ssyncset.done $0x0  }
0x4f: {  	[sflag:s13] =	ssyncadd.s32 $0xFFFFFF80  }
0x50: {  	_ =	sfence.sel $0x180000  }
0x51: {  	[bflag:$0x0] =	sbarrier.arrive $0xFFFF  }
0x52: {  	p0 =	sne.s32 s1, $0x0;
	_ =	strace $0x90000047  }
0x53: {  	s0 =	sadd.s32 @!p0 $0x100000, s0;
	[bflag:$0x2] =	sbarrier.arrive $0xFFFF  }
0x54: {  	[sflag:s0] =	ssyncadd.tile.s32 @!p0 $0x1;
	_ =	shalt  }
.Lfunc_end2:
_tile_overlayer_lowered:
.L_overlay_start_2:
0x55: {  	(tag) =	ssettag $0x2  }
0x56: {  	s0 =	rddreg [dreg:$0x0];
	s2 =	stileid.u32  }
0x57: {  	s1 =	rddreg [dreg:$0x1];
	p0 =	sne.s32 s2, $0x0  }
0x58: {  	s3 =	rddreg [dreg:$0x2];
	[bflag:$0x3] =	sbarrier.arrive $0xFFFF;
	s2 =	simm.s32 @!p0 $0x1C04  }
0x59: {  	[timem:s3], [sflag:s2] =	dma.local @!p0 [hbm:s0], s1  }
0x5a: {  	s0 =	simm.s32 @!p0 $0x4  }
0x5b: {  	_ =	swait.ge @!p0 [sflag:s0], s1  }
0x5c: {  	s1 =	ssub.s32 @!p0 $0x0, s1;
	[sflag:s0] =	ssyncset.done @!p0 $0x0  }
0x5d: {  	[sflag:s0] =	ssyncadd.s32 @!p0 s1  }
0x5e: {  	[bflag:$0x3] =	sbarrier.arrive $0xFFFF  }
0x5f: {  	_ =	shalt  }

</sc_bundles>
